<compile_context>
chip_gen: v7x
topology: tpu7x:2x2x1
jax: 0.10.2.dev20260603
libtpu: 0.0.44.dev20260713+nightly
codegen_flags: <defaults>
</compile_context>

<pallas_src>
import functools

import jax
import jax.numpy as jnp
from jax import lax
from jax.experimental import pallas as pl
from jax.experimental.pallas import tpu as pltpu
from jax.experimental.pallas import tpu_sc as plsc

N_NODES = 10000
N_EDGES = 320000
D = 128

NC = 2
NS = 16
NW = NC * NS

EPW = N_EDGES // NW
CHUNK = 80
NCHUNK = 125
EPWP = NCHUNK * CHUNK
NPAIR = NCHUNK // 2
PAD_DST = N_NODES

NPD = 10240
RPSD = NPD // NS
NPA = 10112
RPSA = NPA // NS

DEG_AHEAD = 8

ROW_BLK = 1000
N_BLKS = N_NODES // ROW_BLK

_sc_mesh = plsc.VectorSubcoreMesh(core_axis_name="c", subcore_axis_name="s")



@functools.partial(
    pl.kernel,
    out_type=jax.ShapeDtypeStruct((NC, NPD), jnp.float32),
    mesh=_sc_mesh,
    scratch_types=[
        pltpu.VMEM((NCHUNK, 1, CHUNK), jnp.int32),
        pltpu.VMEM((CHUNK,), jnp.float32),
        pltpu.VMEM_SHARED((NPD,), jnp.float32),
        pltpu.SemaphoreType.DMA,
    ],
)
def _deg_kernel(dst_hbm, ones_hbm, zeros_hbm, deg_out, idx_v, ones_v, deg_sh,
                sem):
    cid = lax.axis_index("c")
    sid = lax.axis_index("s")
    wid = sid * NC + cid
    pltpu.sync_copy(zeros_hbm, deg_sh.at[pl.ds(sid * RPSD, RPSD)])
    pltpu.sync_copy(ones_hbm, ones_v)
    pltpu.sync_copy(dst_hbm.at[wid], idx_v)
    plsc.subcore_barrier()

    for i in range(DEG_AHEAD):
        pltpu.async_copy(ones_v, deg_sh.at[idx_v.at[i, 0]], sem, add=True)

    def body(i, carry):
        pltpu.make_async_copy(ones_v, deg_sh.at[idx_v.at[0, 0]], sem).wait()
        pltpu.async_copy(ones_v, deg_sh.at[idx_v.at[i + DEG_AHEAD, 0]], sem,
                         add=True)
        return carry

    lax.fori_loop(0, NCHUNK - DEG_AHEAD, body, 0)
    for _ in range(DEG_AHEAD):
        pltpu.make_async_copy(ones_v, deg_sh.at[idx_v.at[0, 0]], sem).wait()
    plsc.subcore_barrier()
    pltpu.sync_copy(deg_sh.at[pl.ds(sid * RPSD, RPSD)],
                    deg_out.at[cid, pl.ds(sid * RPSD, RPSD)])


@functools.partial(
    pl.kernel,
    out_type=jax.ShapeDtypeStruct((NC, NPA, D), jnp.float32),
    mesh=_sc_mesh,
    scratch_types=[
        pltpu.VMEM((NCHUNK, 1, CHUNK), jnp.int32),
        pltpu.VMEM((CHUNK,), jnp.int32),
        pltpu.VMEM((CHUNK,), jnp.int32),
        pltpu.VMEM((CHUNK, D), jnp.float32),
        pltpu.VMEM((CHUNK, D), jnp.float32),
        pltpu.VMEM_SHARED((NPA, D), jnp.float32),
        pltpu.SemaphoreType.DMA,
        pltpu.SemaphoreType.DMA,
    ],
)
def _msg_kernel(y_hbm, src_hbm, dst_hbm, zrows_hbm, acc_out,
                src_v, dst0, dst1, rows0, rows1, acc_sh, gsem0, gsem1):
    cid = lax.axis_index("c")
    sid = lax.axis_index("s")
    wid = sid * NC + cid
    pltpu.sync_copy(zrows_hbm, acc_sh.at[pl.ds(sid * RPSA, RPSA)])
    pltpu.sync_copy(src_hbm.at[wid], src_v)
    plsc.subcore_barrier()

    def fetch(j, dst_b, rows_b, sem):
        pltpu.async_copy(dst_hbm.at[wid, j, 0], dst_b, sem)
        pltpu.async_copy(y_hbm.at[src_v.at[j, 0]], rows_b, sem)

    def drain_and_add(j, dst_b, rows_b, sem):
        pltpu.make_async_copy(dst_hbm.at[wid, j, 0], dst_b, sem).wait()
        pltpu.make_async_copy(y_hbm.at[src_v.at[j, 0]], rows_b, sem).wait()
        pltpu.sync_copy(rows_b, acc_sh.at[dst_b], add=True)

    fetch(0, dst0, rows0, gsem0)

    def body(i, carry):
        j0 = 2 * i
        j1 = j0 + 1
        fetch(j1, dst1, rows1, gsem1)
        drain_and_add(j0, dst0, rows0, gsem0)
        fetch(j0 + 2, dst0, rows0, gsem0)
        drain_and_add(j1, dst1, rows1, gsem1)
        return carry

    lax.fori_loop(0, NPAIR, body, 0)
    drain_and_add(NCHUNK - 1, dst0, rows0, gsem0)
    plsc.subcore_barrier()
    pltpu.sync_copy(acc_sh.at[pl.ds(sid * RPSA, RPSA)],
                    acc_out.at[cid, pl.ds(sid * RPSA, RPSA)])



def _dinv(d0, d1):
    return lax.rsqrt(d0 + d1 + 1.0)


def _l1_body(x_ref, w1_ref, d0_ref, d1_ref, y_ref):
    dinv = _dinv(d0_ref[...], d1_ref[...])
    y_ref[...] = jnp.dot(x_ref[...], w1_ref[...],
                         preferred_element_type=jnp.float32) * dinv


def _l2_body(acc_ref0, acc_ref1, y1_ref, d0_ref, d1_ref, b1_ref, w2_ref,
             y2_ref):
    dinv = _dinv(d0_ref[...], d1_ref[...])
    h = dinv * (acc_ref0[0] + acc_ref1[0] + y1_ref[...]) + b1_ref[...]
    h = jnp.maximum(h, 0.0)
    y2_ref[...] = jnp.dot(h, w2_ref[...],
                          preferred_element_type=jnp.float32) * dinv


def _out_body(acc_ref0, acc_ref1, y2_ref, d0_ref, d1_ref, b2_ref, o_ref):
    dinv = _dinv(d0_ref[...], d1_ref[...])
    logits = dinv * (acc_ref0[0] + acc_ref1[0] + y2_ref[...]) + b2_ref[...]
    m = jnp.max(logits, axis=1, keepdims=True)
    lse = jnp.log(jnp.sum(jnp.exp(logits - m), axis=1, keepdims=True)) + m
    o_ref[...] = logits - lse


def _row_spec():
    return pl.BlockSpec((ROW_BLK, D), lambda i: (i, 0))


def _acc_spec(c):
    return pl.BlockSpec((1, ROW_BLK, D), lambda i: (c, i, 0))


def _deg_spec():
    return pl.BlockSpec((ROW_BLK, 1), lambda i: (i, 0))


def _full_spec():
    return pl.BlockSpec((D, D), lambda i: (0, 0))


def _bias_spec():
    return pl.BlockSpec((1, D), lambda i: (0, 0))


def kernel(x, edge_index, W1, b1, W2, b2):
    src = edge_index[0].astype(jnp.int32).reshape(NW, EPW)
    dst = edge_index[1].astype(jnp.int32).reshape(NW, EPW)
    src4 = jnp.pad(src, ((0, 0), (0, EPWP - EPW))).reshape(NW, NCHUNK, 1, CHUNK)
    dst4 = jnp.pad(dst, ((0, 0), (0, EPWP - EPW)),
                   constant_values=PAD_DST).reshape(NW, NCHUNK, 1, CHUNK)

    ones_c = jnp.ones((CHUNK,), jnp.float32)
    zeros_1d = jnp.zeros((RPSD,), jnp.float32)
    zeros_2d = jnp.zeros((RPSA, D), jnp.float32)

    degp = _deg_kernel(dst4, ones_c, zeros_1d)
    d0 = degp[0, :N_NODES].reshape(N_NODES, 1)
    d1 = degp[1, :N_NODES].reshape(N_NODES, 1)

    y1 = pl.pallas_call(
        _l1_body,
        grid=(N_BLKS,),
        in_specs=[_row_spec(), _full_spec(), _deg_spec(), _deg_spec()],
        out_specs=_row_spec(),
        out_shape=jax.ShapeDtypeStruct((N_NODES, D), jnp.float32),
    )(x, W1, d0, d1)

    accp1 = _msg_kernel(y1, src4, dst4, zeros_2d)

    y2 = pl.pallas_call(
        _l2_body,
        grid=(N_BLKS,),
        in_specs=[_acc_spec(0), _acc_spec(1), _row_spec(), _deg_spec(),
                  _deg_spec(), _bias_spec(), _full_spec()],
        out_specs=_row_spec(),
        out_shape=jax.ShapeDtypeStruct((N_NODES, D), jnp.float32),
    )(accp1, accp1, y1, d0, d1, b1.reshape(1, D), W2)

    accp2 = _msg_kernel(y2, src4, dst4, zeros_2d)

    out = pl.pallas_call(
        _out_body,
        grid=(N_BLKS,),
        in_specs=[_acc_spec(0), _acc_spec(1), _row_spec(), _deg_spec(),
                  _deg_spec(), _bias_spec()],
        out_specs=_row_spec(),
        out_shape=jax.ShapeDtypeStruct((N_NODES, D), jnp.float32),
    )(accp2, accp2, y2, d0, d1, b2.reshape(1, D))

    return out

# --- scband reference (transcript-rebuilt; emitter-appended) ---
"""Pipeline reference for scband-custom-gnn-36344013259167 (READ-ONLY COPY).

The authoritative reference and input builder live on the scoring server;
editing this copy changes nothing except your own understanding.
"""

import jax, jax.numpy as jnp
import numpy as np

N_NODES = 10000
N_EDGES = 320000
D_IN = 128
D_HID = 128
D_OUT = 128


def setup_inputs(seed: int = 0) -> dict:
    key = jax.random.key(seed)
    k1, k2, k3, k4, k5, k6, k7 = jax.random.split(key, 7)
    x = jax.random.normal(k1, (N_NODES, D_IN), dtype=jnp.float32)
    edge_index = jax.random.randint(k2, (2, N_EDGES), 0, N_NODES, dtype=jnp.int64)
    # GCNConv layer 1 params (glorot-style scale)
    W1 = jax.random.normal(k3, (D_IN, D_HID), dtype=jnp.float32) * (1.0 / np.sqrt(D_IN))
    b1 = jnp.zeros((D_HID,), dtype=jnp.float32)
    # GCNConv layer 2 params
    W2 = jax.random.normal(k4, (D_HID, D_OUT), dtype=jnp.float32) * (1.0 / np.sqrt(D_HID))
    b2 = jnp.zeros((D_OUT,), dtype=jnp.float32)
    return {"x": x, "edge_index": edge_index, "W1": W1, "b1": b1, "W2": W2, "b2": b2}


def _gcn_conv(x, src, dst, W, b, num_nodes):
    # GCNConv: add self-loops, symmetric normalization D^{-1/2} (A+I) D^{-1/2} X W + b
    sl = jnp.arange(num_nodes, dtype=src.dtype)
    src_sl = jnp.concatenate([src, sl])
    dst_sl = jnp.concatenate([dst, sl])
    deg = jnp.zeros((num_nodes,), dtype=x.dtype).at[dst_sl].add(1.0)
    dinv = jnp.where(deg > 0, jax.lax.rsqrt(deg), 0.0)
    norm = dinv[src_sl] * dinv[dst_sl]
    xw = x @ W
    msg = jnp.take(xw, src_sl, axis=0) * norm[:, None]
    out = jax.ops.segment_sum(msg, dst_sl, num_segments=num_nodes)
    return out + b


def reference(x, edge_index, W1, b1, W2, b2):
    num_nodes = x.shape[0]
    src = edge_index[0]
    dst = edge_index[1]
    h = _gcn_conv(x, src, dst, W1, b1, num_nodes)
    h = jax.nn.relu(h)
    # dropout p=0.5 with training=self.training; reference runs in eval mode -> identity
    out = _gcn_conv(h, src, dst, W2, b2, num_nodes)
    return jax.nn.log_softmax(out, axis=1)

if __name__ == "__main__":
    import jax
    _d = setup_inputs()
    print(jax.jit(kernel)(*tuple(_d.values())))

</pallas_src>

<mosaic_0001>
#map = affine_map<(d0, d1) -> (0, 0)>
#map1 = affine_map<(d0, d1) -> (0, 0, 0, 0)>
#map2 = affine_map<(d0, d1) -> (0, 0, 0)>
module attributes {stable_mosaic.version = 14 : i64} {
  func.func @_msg_kernel(%arg0: i32, %arg1: i32, %arg2: memref<10000x128xf32, #tpu.memory_space<hbm>>, %arg3: memref<32x125x1x80xi32, #tpu.memory_space<hbm>>, %arg4: memref<32x125x1x80xi32, #tpu.memory_space<hbm>>, %arg5: memref<632x128xf32, #tpu.memory_space<hbm>>, %arg6: memref<2x10112x128xf32, #tpu.memory_space<hbm>>, %arg7: memref<125x1x80xi32, #tpu.memory_space<vmem>>, %arg8: memref<80xi32, #tpu.memory_space<vmem>>, %arg9: memref<80xi32, #tpu.memory_space<vmem>>, %arg10: memref<80x128xf32, #tpu.memory_space<vmem>>, %arg11: memref<80x128xf32, #tpu.memory_space<vmem>>, %arg12: memref<10112x128xf32, #tpu.memory_space<vmem_shared>>, %arg13: memref<!tpu.dma_semaphore, #tpu.memory_space<semaphore_mem>>, %arg14: memref<!tpu.dma_semaphore, #tpu.memory_space<semaphore_mem>>) attributes {dimension_semantics = [#tpu.dimension_semantics<core_parallel>, #tpu.dimension_semantics<subcore_parallel>], iteration_bounds = array<i64: 2, 16>, scalar_prefetch = 0 : i64, scratch_operands = 8 : i64, tpu.core_type = #tpu.core_type<sc_vector_subcore>, window_params = [{transform_indices = #map}, {transform_indices = #map1}, {transform_indices = #map1}, {transform_indices = #map}, {transform_indices = #map2}]} {
    %mul3A = arith.constant 2 : i32
    %mul3A_0 = arith.muli %arg1, %mul3A : i32
    %add3A = arith.addi %mul3A_0, %arg0 : i32
    %mul3A_1 = arith.constant 632 : i32
    %mul3A_2 = arith.muli %arg1, %mul3A_1 : i32
    "tpu.region"() ({
      %run_scoped3A = tpu.sem_alloc : memref<!tpu.dma_semaphore, #tpu.memory_space<semaphore_mem>>
      %dma_start3A_43 = arith.constant 0 : i32
      %dma_start3A_44 = tpu.memref_slice %arg12[%mul3A_2, %dma_start3A_43] : memref<10112x128xf32, #tpu.memory_space<vmem_shared>> -> memref<632x128xf32, #tpu.memory_space<vmem_shared>>
      tpu.enqueue_dma source(%arg5 : memref<632x128xf32, #tpu.memory_space<hbm>>) target(%dma_start3A_44 : memref<632x128xf32, #tpu.memory_space<vmem_shared>>) target_semaphore(%run_scoped3A : memref<!tpu.dma_semaphore, #tpu.memory_space<semaphore_mem>>)
      %dma_wait3A_45 = arith.constant 0 : i32
      %dma_wait3A_46 = tpu.memref_slice %arg12[%mul3A_2, %dma_wait3A_45] : memref<10112x128xf32, #tpu.memory_space<vmem_shared>> -> memref<632x128xf32, #tpu.memory_space<vmem_shared>>
      tpu.wait_dma2 semaphore(%run_scoped3A : memref<!tpu.dma_semaphore, #tpu.memory_space<semaphore_mem>>) src(%arg5 : memref<632x128xf32, #tpu.memory_space<hbm>>) dst(%dma_wait3A_46 : memref<632x128xf32, #tpu.memory_space<vmem_shared>>)
      tpu.yield
    }) : () -> ()
    "tpu.region"() ({
      %run_scoped3A = tpu.sem_alloc : memref<!tpu.dma_semaphore, #tpu.memory_space<semaphore_mem>>
      %dma_start3A_43 = arith.constant 0 : i32
      %dma_start3A_44 = arith.constant 0 : i32
      %dma_start3A_45 = arith.constant 0 : i32
      %dma_start3A_46 = tpu.memref_slice %arg3[%add3A, %dma_start3A_43, %dma_start3A_44, %dma_start3A_45] : memref<32x125x1x80xi32, #tpu.memory_space<hbm>> -> memref<1x125x1x80xi32, #tpu.memory_space<hbm>>
      %dma_start3A_47 = tpu.memref_squeeze %dma_start3A_46 : memref<1x125x1x80xi32, #tpu.memory_space<hbm>> -> memref<125x1x80xi32, #tpu.memory_space<hbm>>
      %dma_start3A_48 = arith.constant 0 : i32
      %dma_start3A_49 = arith.constant 0 : i32
      %dma_start3A_50 = arith.constant 0 : i32
      %dma_start3A_51 = tpu.memref_slice %arg3[%add3A, %dma_start3A_48, %dma_start3A_49, %dma_start3A_50] : memref<32x125x1x80xi32, #tpu.memory_space<hbm>> -> memref<1x125x1x80xi32, #tpu.memory_space<hbm>>
      %dma_start3A_52 = tpu.memref_squeeze %dma_start3A_51 : memref<1x125x1x80xi32, #tpu.memory_space<hbm>> -> memref<125x1x80xi32, #tpu.memory_space<hbm>>
      tpu.enqueue_dma source(%dma_start3A_52 : memref<125x1x80xi32, #tpu.memory_space<hbm>>) target(%arg7 : memref<125x1x80xi32, #tpu.memory_space<vmem>>) target_semaphore(%run_scoped3A : memref<!tpu.dma_semaphore, #tpu.memory_space<semaphore_mem>>)
      %dma_wait3A_53 = arith.constant 0 : i32
      %dma_wait3A_54 = arith.constant 0 : i32
      %dma_wait3A_55 = arith.constant 0 : i32
      %dma_wait3A_56 = tpu.memref_slice %arg3[%add3A, %dma_wait3A_53, %dma_wait3A_54, %dma_wait3A_55] : memref<32x125x1x80xi32, #tpu.memory_space<hbm>> -> memref<1x125x1x80xi32, #tpu.memory_space<hbm>>
      %dma_wait3A_57 = tpu.memref_squeeze %dma_wait3A_56 : memref<1x125x1x80xi32, #tpu.memory_space<hbm>> -> memref<125x1x80xi32, #tpu.memory_space<hbm>>
      %dma_wait3A_58 = arith.constant 0 : i32
      %dma_wait3A_59 = arith.constant 0 : i32
      %dma_wait3A_60 = arith.constant 0 : i32
      %dma_wait3A_61 = tpu.memref_slice %arg3[%add3A, %dma_wait3A_58, %dma_wait3A_59, %dma_wait3A_60] : memref<32x125x1x80xi32, #tpu.memory_space<hbm>> -> memref<1x125x1x80xi32, #tpu.memory_space<hbm>>
      %dma_wait3A_62 = tpu.memref_squeeze %dma_wait3A_61 : memref<1x125x1x80xi32, #tpu.memory_space<hbm>> -> memref<125x1x80xi32, #tpu.memory_space<hbm>>
      tpu.wait_dma2 semaphore(%run_scoped3A : memref<!tpu.dma_semaphore, #tpu.memory_space<semaphore_mem>>) src(%dma_wait3A_62 : memref<125x1x80xi32, #tpu.memory_space<hbm>>) dst(%arg7 : memref<125x1x80xi32, #tpu.memory_space<vmem>>)
      tpu.yield
    }) : () -> ()
    %barrier3A = arith.constant 0 : index
    tpu.barrier barrier_id(%barrier3A)
    %dma_start3A = arith.constant 0 : i32
    %dma_start3A_3 = arith.constant 0 : i32
    %dma_start3A_4 = arith.constant 0 : i32
    %dma_start3A_5 = tpu.memref_slice %arg4[%add3A, %dma_start3A, %dma_start3A_3, %dma_start3A_4] : memref<32x125x1x80xi32, #tpu.memory_space<hbm>> -> memref<1x1x1x80xi32, #tpu.memory_space<hbm>>
    %dma_start3A_6 = tpu.memref_squeeze %dma_start3A_5 : memref<1x1x1x80xi32, #tpu.memory_space<hbm>> -> memref<80xi32, #tpu.memory_space<hbm>>
    %dma_start3A_7 = arith.constant 0 : i32
    %dma_start3A_8 = tpu.memref_slice %arg4[%add3A, %dma_start3A, %dma_start3A_3, %dma_start3A_7] : memref<32x125x1x80xi32, #tpu.memory_space<hbm>> -> memref<1x1x1x80xi32, #tpu.memory_space<hbm>>
    %dma_start3A_9 = tpu.memref_squeeze %dma_start3A_8 : memref<1x1x1x80xi32, #tpu.memory_space<hbm>> -> memref<80xi32, #tpu.memory_space<hbm>>
    tpu.enqueue_dma source(%dma_start3A_9 : memref<80xi32, #tpu.memory_space<hbm>>) target(%arg8 : memref<80xi32, #tpu.memory_space<vmem>>) target_semaphore(%arg13 : memref<!tpu.dma_semaphore, #tpu.memory_space<semaphore_mem>>)
    %dma_start3A_10 = arith.constant 0 : i32
    %dma_start3A_11 = arith.constant 0 : i32
    %dma_start3A_12 = arith.constant 0 : i32
    %dma_start3A_13 = tpu.memref_slice %arg7[%dma_start3A_10, %dma_start3A_11, %dma_start3A_12] : memref<125x1x80xi32, #tpu.memory_space<vmem>> -> memref<1x1x80xi32, #tpu.memory_space<vmem>>
    %dma_start3A_14 = tpu.memref_squeeze %dma_start3A_13 : memref<1x1x80xi32, #tpu.memory_space<vmem>> -> memref<80xi32, #tpu.memory_space<vmem>>
    %dma_start3A_15 = arith.constant 0 : i32
    %dma_start3A_16 = arith.constant 0 : i32
    %dma_start3A_17 = tpu.memref_slice %arg2[%dma_start3A_15, %dma_start3A_16] : memref<10000x128xf32, #tpu.memory_space<hbm>> -> memref<10000x128xf32, #tpu.memory_space<hbm>>
    tpu.enqueue_indirect_dma source(%dma_start3A_17 : memref<10000x128xf32, #tpu.memory_space<hbm>>) target(%arg10 : memref<80x128xf32, #tpu.memory_space<vmem>>) offsets(%dma_start3A_14 : memref<80xi32, #tpu.memory_space<vmem>>) semaphore(%arg13 : memref<!tpu.dma_semaphore, #tpu.memory_space<semaphore_mem>>)
    %scan3A = arith.constant 0 : i32
    %scan3A_18 = arith.constant 0 : i32
    %scan3A_19 = arith.constant 62 : i32
    %scan3A_20 = arith.addi %scan3A_18, %scan3A_19 : i32
    %scan3A_21 = arith.constant 1 : i32
    scf.for %scan3A_43 = %scan3A_18 to %scan3A_20 step %scan3A_21  : i32 {
      %mul3A_44 = arith.constant 2 : i32
      %mul3A_45 = arith.muli %mul3A_44, %scan3A_43 : i32
      %add3A_46 = arith.constant 1 : i32
      %add3A_47 = arith.addi %mul3A_45, %add3A_46 : i32
      %dma_start3A_48 = arith.constant 0 : i32
      %dma_start3A_49 = arith.constant 0 : i32
      %dma_start3A_50 = tpu.memref_slice %arg4[%add3A, %add3A_47, %dma_start3A_48, %dma_start3A_49] : memref<32x125x1x80xi32, #tpu.memory_space<hbm>> -> memref<1x1x1x80xi32, #tpu.memory_space<hbm>>
      %dma_start3A_51 = tpu.memref_squeeze %dma_start3A_50 : memref<1x1x1x80xi32, #tpu.memory_space<hbm>> -> memref<80xi32, #tpu.memory_space<hbm>>
      %dma_start3A_52 = arith.constant 0 : i32
      %dma_start3A_53 = tpu.memref_slice %arg4[%add3A, %add3A_47, %dma_start3A_48, %dma_start3A_52] : memref<32x125x1x80xi32, #tpu.memory_space<hbm>> -> memref<1x1x1x80xi32, #tpu.memory_space<hbm>>
      %dma_start3A_54 = tpu.memref_squeeze %dma_start3A_53 : memref<1x1x1x80xi32, #tpu.memory_space<hbm>> -> memref<80xi32, #tpu.memory_space<hbm>>
      tpu.enqueue_dma source(%dma_start3A_54 : memref<80xi32, #tpu.memory_space<hbm>>) target(%arg9 : memref<80xi32, #tpu.memory_space<vmem>>) target_semaphore(%arg14 : memref<!tpu.dma_semaphore, #tpu.memory_space<semaphore_mem>>)
      %dma_start3A_55 = arith.constant 0 : i32
      %dma_start3A_56 = arith.constant 0 : i32
      %dma_start3A_57 = tpu.memref_slice %arg7[%add3A_47, %dma_start3A_55, %dma_start3A_56] : memref<125x1x80xi32, #tpu.memory_space<vmem>> -> memref<1x1x80xi32, #tpu.memory_space<vmem>>
      %dma_start3A_58 = tpu.memref_squeeze %dma_start3A_57 : memref<1x1x80xi32, #tpu.memory_space<vmem>> -> memref<80xi32, #tpu.memory_space<vmem>>
      %dma_start3A_59 = arith.constant 0 : i32
      %dma_start3A_60 = arith.constant 0 : i32
      %dma_start3A_61 = tpu.memref_slice %arg2[%dma_start3A_59, %dma_start3A_60] : memref<10000x128xf32, #tpu.memory_space<hbm>> -> memref<10000x128xf32, #tpu.memory_space<hbm>>
      tpu.enqueue_indirect_dma source(%dma_start3A_61 : memref<10000x128xf32, #tpu.memory_space<hbm>>) target(%arg11 : memref<80x128xf32, #tpu.memory_space<vmem>>) offsets(%dma_start3A_58 : memref<80xi32, #tpu.memory_space<vmem>>) semaphore(%arg14 : memref<!tpu.dma_semaphore, #tpu.memory_space<semaphore_mem>>)
      %dma_wait3A_62 = arith.constant 0 : i32
      %dma_wait3A_63 = arith.constant 0 : i32
      %dma_wait3A_64 = tpu.memref_slice %arg4[%add3A, %mul3A_45, %dma_wait3A_62, %dma_wait3A_63] : memref<32x125x1x80xi32, #tpu.memory_space<hbm>> -> memref<1x1x1x80xi32, #tpu.memory_space<hbm>>
      %dma_wait3A_65 = tpu.memref_squeeze %dma_wait3A_64 : memref<1x1x1x80xi32, #tpu.memory_space<hbm>> -> memref<80xi32, #tpu.memory_space<hbm>>
      %dma_wait3A_66 = arith.constant 0 : i32
      %dma_wait3A_67 = tpu.memref_slice %arg4[%add3A, %mul3A_45, %dma_wait3A_62, %dma_wait3A_66] : memref<32x125x1x80xi32, #tpu.memory_space<hbm>> -> memref<1x1x1x80xi32, #tpu.memory_space<hbm>>
      %dma_wait3A_68 = tpu.memref_squeeze %dma_wait3A_67 : memref<1x1x1x80xi32, #tpu.memory_space<hbm>> -> memref<80xi32, #tpu.memory_space<hbm>>
      tpu.wait_dma2 semaphore(%arg13 : memref<!tpu.dma_semaphore, #tpu.memory_space<semaphore_mem>>) src(%dma_wait3A_68 : memref<80xi32, #tpu.memory_space<hbm>>) dst(%arg8 : memref<80xi32, #tpu.memory_space<vmem>>)
      %dma_wait3A_69 = arith.constant 0 : i32
      %dma_wait3A_70 = arith.constant 0 : i32
      %dma_wait3A_71 = tpu.memref_slice %arg7[%mul3A_45, %dma_wait3A_69, %dma_wait3A_70] : memref<125x1x80xi32, #tpu.memory_space<vmem>> -> memref<1x1x80xi32, #tpu.memory_space<vmem>>
      %dma_wait3A_72 = tpu.memref_squeeze %dma_wait3A_71 : memref<1x1x80xi32, #tpu.memory_space<vmem>> -> memref<80xi32, #tpu.memory_space<vmem>>
      %dma_wait3A_73 = arith.constant 0 : i32
      %dma_wait3A_74 = arith.constant 0 : i32
      %dma_wait3A_75 = tpu.memref_slice %arg2[%dma_wait3A_73, %dma_wait3A_74] : memref<10000x128xf32, #tpu.memory_space<hbm>> -> memref<10000x128xf32, #tpu.memory_space<hbm>>
      tpu.wait_indirect_dma semaphore(%arg13 : memref<!tpu.dma_semaphore, #tpu.memory_space<semaphore_mem>>) src(%dma_wait3A_75 : memref<10000x128xf32, #tpu.memory_space<hbm>>) dst(%arg10 : memref<80x128xf32, #tpu.memory_space<vmem>>)
      "tpu.region"() ({
        %run_scoped3A = tpu.sem_alloc : memref<!tpu.dma_semaphore, #tpu.memory_space<semaphore_mem>>
        %dma_start3A_106 = arith.constant 0 : i32
        %dma_start3A_107 = arith.constant 0 : i32
        %dma_start3A_108 = tpu.memref_slice %arg12[%dma_start3A_106, %dma_start3A_107] : memref<10112x128xf32, #tpu.memory_space<vmem_shared>> -> memref<10112x128xf32, #tpu.memory_space<vmem_shared>>
        tpu.enqueue_indirect_dma source(%arg10 : memref<80x128xf32, #tpu.memory_space<vmem>>) target(%dma_start3A_108 : memref<10112x128xf32, #tpu.memory_space<vmem_shared>>) offsets(%arg8 : memref<80xi32, #tpu.memory_space<vmem>>) semaphore(%run_scoped3A : memref<!tpu.dma_semaphore, #tpu.memory_space<semaphore_mem>>) {add = true}
        %dma_wait3A_109 = arith.constant 0 : i32
        %dma_wait3A_110 = arith.constant 0 : i32
        %dma_wait3A_111 = tpu.memref_slice %arg12[%dma_wait3A_109, %dma_wait3A_110] : memref<10112x128xf32, #tpu.memory_space<vmem_shared>> -> memref<10112x128xf32, #tpu.memory_space<vmem_shared>>
        tpu.wait_indirect_dma semaphore(%run_scoped3A : memref<!tpu.dma_semaphore, #tpu.memory_space<semaphore_mem>>) src(%arg10 : memref<80x128xf32, #tpu.memory_space<vmem>>) dst(%dma_wait3A_111 : memref<10112x128xf32, #tpu.memory_space<vmem_shared>>)
        tpu.yield
      }) : () -> ()
      %add3A_76 = arith.constant 2 : i32
      %add3A_77 = arith.addi %mul3A_45, %add3A_76 : i32
      %dma_start3A_78 = arith.constant 0 : i32
      %dma_start3A_79 = arith.constant 0 : i32
      %dma_start3A_80 = tpu.memref_slice %arg4[%add3A, %add3A_77, %dma_start3A_78, %dma_start3A_79] : memref<32x125x1x80xi32, #tpu.memory_space<hbm>> -> memref<1x1x1x80xi32, #tpu.memory_space<hbm>>
      %dma_start3A_81 = tpu.memref_squeeze %dma_start3A_80 : memref<1x1x1x80xi32, #tpu.memory_space<hbm>> -> memref<80xi32, #tpu.memory_space<hbm>>
      %dma_start3A_82 = arith.constant 0 : i32
      %dma_start3A_83 = tpu.memref_slice %arg4[%add3A, %add3A_77, %dma_start3A_78, %dma_start3A_82] : memref<32x125x1x80xi32, #tpu.memory_space<hbm>> -> memref<1x1x1x80xi32, #tpu.memory_space<hbm>>
      %dma_start3A_84 = tpu.memref_squeeze %dma_start3A_83 : memref<1x1x1x80xi32, #tpu.memory_space<hbm>> -> memref<80xi32, #tpu.memory_space<hbm>>
      tpu.enqueue_dma source(%dma_start3A_84 : memref<80xi32, #tpu.memory_space<hbm>>) target(%arg8 : memref<80xi32, #tpu.memory_space<vmem>>) target_semaphore(%arg13 : memref<!tpu.dma_semaphore, #tpu.memory_space<semaphore_mem>>)
      %dma_start3A_85 = arith.constant 0 : i32
      %dma_start3A_86 = arith.constant 0 : i32
      %dma_start3A_87 = tpu.memref_slice %arg7[%add3A_77, %dma_start3A_85, %dma_start3A_86] : memref<125x1x80xi32, #tpu.memory_space<vmem>> -> memref<1x1x80xi32, #tpu.memory_space<vmem>>
      %dma_start3A_88 = tpu.memref_squeeze %dma_start3A_87 : memref<1x1x80xi32, #tpu.memory_space<vmem>> -> memref<80xi32, #tpu.memory_space<vmem>>
      %dma_start3A_89 = arith.constant 0 : i32
      %dma_start3A_90 = arith.constant 0 : i32
      %dma_start3A_91 = tpu.memref_slice %arg2[%dma_start3A_89, %dma_start3A_90] : memref<10000x128xf32, #tpu.memory_space<hbm>> -> memref<10000x128xf32, #tpu.memory_space<hbm>>
      tpu.enqueue_indirect_dma source(%dma_start3A_91 : memref<10000x128xf32, #tpu.memory_space<hbm>>) target(%arg10 : memref<80x128xf32, #tpu.memory_space<vmem>>) offsets(%dma_start3A_88 : memref<80xi32, #tpu.memory_space<vmem>>) semaphore(%arg13 : memref<!tpu.dma_semaphore, #tpu.memory_space<semaphore_mem>>)
      %dma_wait3A_92 = arith.constant 0 : i32
      %dma_wait3A_93 = arith.constant 0 : i32
      %dma_wait3A_94 = tpu.memref_slice %arg4[%add3A, %add3A_47, %dma_wait3A_92, %dma_wait3A_93] : memref<32x125x1x80xi32, #tpu.memory_space<hbm>> -> memref<1x1x1x80xi32, #tpu.memory_space<hbm>>
      %dma_wait3A_95 = tpu.memref_squeeze %dma_wait3A_94 : memref<1x1x1x80xi32, #tpu.memory_space<hbm>> -> memref<80xi32, #tpu.memory_space<hbm>>
      %dma_wait3A_96 = arith.constant 0 : i32
      %dma_wait3A_97 = tpu.memref_slice %arg4[%add3A, %add3A_47, %dma_wait3A_92, %dma_wait3A_96] : memref<32x125x1x80xi32, #tpu.memory_space<hbm>> -> memref<1x1x1x80xi32, #tpu.memory_space<hbm>>
      %dma_wait3A_98 = tpu.memref_squeeze %dma_wait3A_97 : memref<1x1x1x80xi32, #tpu.memory_space<hbm>> -> memref<80xi32, #tpu.memory_space<hbm>>
      tpu.wait_dma2 semaphore(%arg14 : memref<!tpu.dma_semaphore, #tpu.memory_space<semaphore_mem>>) src(%dma_wait3A_98 : memref<80xi32, #tpu.memory_space<hbm>>) dst(%arg9 : memref<80xi32, #tpu.memory_space<vmem>>)
      %dma_wait3A_99 = arith.constant 0 : i32
      %dma_wait3A_100 = arith.constant 0 : i32
      %dma_wait3A_101 = tpu.memref_slice %arg7[%add3A_47, %dma_wait3A_99, %dma_wait3A_100] : memref<125x1x80xi32, #tpu.memory_space<vmem>> -> memref<1x1x80xi32, #tpu.memory_space<vmem>>
      %dma_wait3A_102 = tpu.memref_squeeze %dma_wait3A_101 : memref<1x1x80xi32, #tpu.memory_space<vmem>> -> memref<80xi32, #tpu.memory_space<vmem>>
      %dma_wait3A_103 = arith.constant 0 : i32
      %dma_wait3A_104 = arith.constant 0 : i32
      %dma_wait3A_105 = tpu.memref_slice %arg2[%dma_wait3A_103, %dma_wait3A_104] : memref<10000x128xf32, #tpu.memory_space<hbm>> -> memref<10000x128xf32, #tpu.memory_space<hbm>>
      tpu.wait_indirect_dma semaphore(%arg14 : memref<!tpu.dma_semaphore, #tpu.memory_space<semaphore_mem>>) src(%dma_wait3A_105 : memref<10000x128xf32, #tpu.memory_space<hbm>>) dst(%arg11 : memref<80x128xf32, #tpu.memory_space<vmem>>)
      "tpu.region"() ({
        %run_scoped3A = tpu.sem_alloc : memref<!tpu.dma_semaphore, #tpu.memory_space<semaphore_mem>>
        %dma_start3A_106 = arith.constant 0 : i32
        %dma_start3A_107 = arith.constant 0 : i32
        %dma_start3A_108 = tpu.memref_slice %arg12[%dma_start3A_106, %dma_start3A_107] : memref<10112x128xf32, #tpu.memory_space<vmem_shared>> -> memref<10112x128xf32, #tpu.memory_space<vmem_shared>>
        tpu.enqueue_indirect_dma source(%arg11 : memref<80x128xf32, #tpu.memory_space<vmem>>) target(%dma_start3A_108 : memref<10112x128xf32, #tpu.memory_space<vmem_shared>>) offsets(%arg9 : memref<80xi32, #tpu.memory_space<vmem>>) semaphore(%run_scoped3A : memref<!tpu.dma_semaphore, #tpu.memory_space<semaphore_mem>>) {add = true}
        %dma_wait3A_109 = arith.constant 0 : i32
        %dma_wait3A_110 = arith.constant 0 : i32
        %dma_wait3A_111 = tpu.memref_slice %arg12[%dma_wait3A_109, %dma_wait3A_110] : memref<10112x128xf32, #tpu.memory_space<vmem_shared>> -> memref<10112x128xf32, #tpu.memory_space<vmem_shared>>
        tpu.wait_indirect_dma semaphore(%run_scoped3A : memref<!tpu.dma_semaphore, #tpu.memory_space<semaphore_mem>>) src(%arg11 : memref<80x128xf32, #tpu.memory_space<vmem>>) dst(%dma_wait3A_111 : memref<10112x128xf32, #tpu.memory_space<vmem_shared>>)
        tpu.yield
      }) : () -> ()
    }
    %scan3A_22 = arith.constant 62 : i32
    %dma_wait3A = arith.constant 124 : i32
    %dma_wait3A_23 = arith.constant 0 : i32
    %dma_wait3A_24 = arith.constant 0 : i32
    %dma_wait3A_25 = tpu.memref_slice %arg4[%add3A, %dma_wait3A, %dma_wait3A_23, %dma_wait3A_24] : memref<32x125x1x80xi32, #tpu.memory_space<hbm>> -> memref<1x1x1x80xi32, #tpu.memory_space<hbm>>
    %dma_wait3A_26 = tpu.memref_squeeze %dma_wait3A_25 : memref<1x1x1x80xi32, #tpu.memory_space<hbm>> -> memref<80xi32, #tpu.memory_space<hbm>>
    %dma_wait3A_27 = arith.constant 0 : i32
    %dma_wait3A_28 = tpu.memref_slice %arg4[%add3A, %dma_wait3A, %dma_wait3A_23, %dma_wait3A_27] : memref<32x125x1x80xi32, #tpu.memory_space<hbm>> -> memref<1x1x1x80xi32, #tpu.memory_space<hbm>>
    %dma_wait3A_29 = tpu.memref_squeeze %dma_wait3A_28 : memref<1x1x1x80xi32, #tpu.memory_space<hbm>> -> memref<80xi32, #tpu.memory_space<hbm>>
    tpu.wait_dma2 semaphore(%arg13 : memref<!tpu.dma_semaphore, #tpu.memory_space<semaphore_mem>>) src(%dma_wait3A_29 : memref<80xi32, #tpu.memory_space<hbm>>) dst(%arg8 : memref<80xi32, #tpu.memory_space<vmem>>)
    %dma_wait3A_30 = arith.constant 124 : i32
    %dma_wait3A_31 = arith.constant 0 : i32
    %dma_wait3A_32 = arith.constant 0 : i32
    %dma_wait3A_33 = tpu.memref_slice %arg7[%dma_wait3A_30, %dma_wait3A_31, %dma_wait3A_32] : memref<125x1x80xi32, #tpu.memory_space<vmem>> -> memref<1x1x80xi32, #tpu.memory_space<vmem>>
    %dma_wait3A_34 = tpu.memref_squeeze %dma_wait3A_33 : memref<1x1x80xi32, #tpu.memory_space<vmem>> -> memref<80xi32, #tpu.memory_space<vmem>>
    %dma_wait3A_35 = arith.constant 0 : i32
    %dma_wait3A_36 = arith.constant 0 : i32
    %dma_wait3A_37 = tpu.memref_slice %arg2[%dma_wait3A_35, %dma_wait3A_36] : memref<10000x128xf32, #tpu.memory_space<hbm>> -> memref<10000x128xf32, #tpu.memory_space<hbm>>
    tpu.wait_indirect_dma semaphore(%arg13 : memref<!tpu.dma_semaphore, #tpu.memory_space<semaphore_mem>>) src(%dma_wait3A_37 : memref<10000x128xf32, #tpu.memory_space<hbm>>) dst(%arg10 : memref<80x128xf32, #tpu.memory_space<vmem>>)
    "tpu.region"() ({
      %run_scoped3A = tpu.sem_alloc : memref<!tpu.dma_semaphore, #tpu.memory_space<semaphore_mem>>
      %dma_start3A_43 = arith.constant 0 : i32
      %dma_start3A_44 = arith.constant 0 : i32
      %dma_start3A_45 = tpu.memref_slice %arg12[%dma_start3A_43, %dma_start3A_44] : memref<10112x128xf32, #tpu.memory_space<vmem_shared>> -> memref<10112x128xf32, #tpu.memory_space<vmem_shared>>
      tpu.enqueue_indirect_dma source(%arg10 : memref<80x128xf32, #tpu.memory_space<vmem>>) target(%dma_start3A_45 : memref<10112x128xf32, #tpu.memory_space<vmem_shared>>) offsets(%arg8 : memref<80xi32, #tpu.memory_space<vmem>>) semaphore(%run_scoped3A : memref<!tpu.dma_semaphore, #tpu.memory_space<semaphore_mem>>) {add = true}
      %dma_wait3A_46 = arith.constant 0 : i32
      %dma_wait3A_47 = arith.constant 0 : i32
      %dma_wait3A_48 = tpu.memref_slice %arg12[%dma_wait3A_46, %dma_wait3A_47] : memref<10112x128xf32, #tpu.memory_space<vmem_shared>> -> memref<10112x128xf32, #tpu.memory_space<vmem_shared>>
      tpu.wait_indirect_dma semaphore(%run_scoped3A : memref<!tpu.dma_semaphore, #tpu.memory_space<semaphore_mem>>) src(%arg10 : memref<80x128xf32, #tpu.memory_space<vmem>>) dst(%dma_wait3A_48 : memref<10112x128xf32, #tpu.memory_space<vmem_shared>>)
      tpu.yield
    }) : () -> ()
    %barrier3A_38 = arith.constant 0 : index
    tpu.barrier barrier_id(%barrier3A_38)
    %mul3A_39 = arith.constant 632 : i32
    %mul3A_40 = arith.muli %arg1, %mul3A_39 : i32
    %mul3A_41 = arith.constant 632 : i32
    %mul3A_42 = arith.muli %arg1, %mul3A_41 : i32
    "tpu.region"() ({
      %run_scoped3A = tpu.sem_alloc : memref<!tpu.dma_semaphore, #tpu.memory_space<semaphore_mem>>
      %dma_start3A_43 = arith.constant 0 : i32
      %dma_start3A_44 = tpu.memref_slice %arg6[%arg0, %mul3A_42, %dma_start3A_43] : memref<2x10112x128xf32, #tpu.memory_space<hbm>> -> memref<1x632x128xf32, #tpu.memory_space<hbm>>
      %dma_start3A_45 = tpu.memref_squeeze %dma_start3A_44 : memref<1x632x128xf32, #tpu.memory_space<hbm>> -> memref<632x128xf32, #tpu.memory_space<hbm>>
      %dma_start3A_46 = arith.constant 0 : i32
      %dma_start3A_47 = tpu.memref_slice %arg12[%mul3A_40, %dma_start3A_46] : memref<10112x128xf32, #tpu.memory_space<vmem_shared>> -> memref<632x128xf32, #tpu.memory_space<vmem_shared>>
      tpu.enqueue_dma source(%dma_start3A_47 : memref<632x128xf32, #tpu.memory_space<vmem_shared>>) target(%dma_start3A_45 : memref<632x128xf32, #tpu.memory_space<hbm>>) target_semaphore(%run_scoped3A : memref<!tpu.dma_semaphore, #tpu.memory_space<semaphore_mem>>)
      %dma_wait3A_48 = arith.constant 0 : i32
      %dma_wait3A_49 = tpu.memref_slice %arg6[%arg0, %mul3A_42, %dma_wait3A_48] : memref<2x10112x128xf32, #tpu.memory_space<hbm>> -> memref<1x632x128xf32, #tpu.memory_space<hbm>>
      %dma_wait3A_50 = tpu.memref_squeeze %dma_wait3A_49 : memref<1x632x128xf32, #tpu.memory_space<hbm>> -> memref<632x128xf32, #tpu.memory_space<hbm>>
      %dma_wait3A_51 = arith.constant 0 : i32
      %dma_wait3A_52 = tpu.memref_slice %arg12[%mul3A_40, %dma_wait3A_51] : memref<10112x128xf32, #tpu.memory_space<vmem_shared>> -> memref<632x128xf32, #tpu.memory_space<vmem_shared>>
      tpu.wait_dma2 semaphore(%run_scoped3A : memref<!tpu.dma_semaphore, #tpu.memory_space<semaphore_mem>>) src(%dma_wait3A_52 : memref<632x128xf32, #tpu.memory_space<vmem_shared>>) dst(%dma_wait3A_50 : memref<632x128xf32, #tpu.memory_space<hbm>>)
      tpu.yield
    }) : () -> ()
    return
  }
}

#map = affine_map<(d0, d1) -> (0, 0, 0, 0)>
#map1 = affine_map<(d0, d1) -> (0)>
#map2 = affine_map<(d0, d1) -> (0, 0)>
module attributes {stable_mosaic.version = 14 : i64} {
  func.func @_deg_kernel(%arg0: i32, %arg1: i32, %arg2: memref<32x125x1x80xi32, #tpu.memory_space<hbm>>, %arg3: memref<80xf32, #tpu.memory_space<hbm>>, %arg4: memref<640xf32, #tpu.memory_space<hbm>>, %arg5: memref<2x10240xf32, #tpu.memory_space<hbm>>, %arg6: memref<125x1x80xi32, #tpu.memory_space<vmem>>, %arg7: memref<80xf32, #tpu.memory_space<vmem>>, %arg8: memref<10240xf32, #tpu.memory_space<vmem_shared>>, %arg9: memref<!tpu.dma_semaphore, #tpu.memory_space<semaphore_mem>>) attributes {dimension_semantics = [#tpu.dimension_semantics<core_parallel>, #tpu.dimension_semantics<subcore_parallel>], iteration_bounds = array<i64: 2, 16>, scalar_prefetch = 0 : i64, scratch_operands = 4 : i64, tpu.core_type = #tpu.core_type<sc_vector_subcore>, window_params = [{transform_indices = #map}, {transform_indices = #map1}, {transform_indices = #map1}, {transform_indices = #map2}]} {
    %mul3A = arith.constant 2 : i32
    %mul3A_0 = arith.muli %arg1, %mul3A : i32
    %add3A = arith.addi %mul3A_0, %arg0 : i32
    %mul3A_1 = arith.constant 640 : i32
    %mul3A_2 = arith.muli %arg1, %mul3A_1 : i32
    "tpu.region"() ({
      %run_scoped3A = tpu.sem_alloc : memref<!tpu.dma_semaphore, #tpu.memory_space<semaphore_mem>>
      %dma_start3A_123 = tpu.memref_slice %arg8[%mul3A_2] : memref<10240xf32, #tpu.memory_space<vmem_shared>> -> memref<640xf32, #tpu.memory_space<vmem_shared>>
      tpu.enqueue_dma source(%arg4 : memref<640xf32, #tpu.memory_space<hbm>>) target(%dma_start3A_123 : memref<640xf32, #tpu.memory_space<vmem_shared>>) target_semaphore(%run_scoped3A : memref<!tpu.dma_semaphore, #tpu.memory_space<semaphore_mem>>)
      %dma_wait3A_124 = tpu.memref_slice %arg8[%mul3A_2] : memref<10240xf32, #tpu.memory_space<vmem_shared>> -> memref<640xf32, #tpu.memory_space<vmem_shared>>
      tpu.wait_dma2 semaphore(%run_scoped3A : memref<!tpu.dma_semaphore, #tpu.memory_space<semaphore_mem>>) src(%arg4 : memref<640xf32, #tpu.memory_space<hbm>>) dst(%dma_wait3A_124 : memref<640xf32, #tpu.memory_space<vmem_shared>>)
      tpu.yield
    }) : () -> ()
    "tpu.region"() ({
      %run_scoped3A = tpu.sem_alloc : memref<!tpu.dma_semaphore, #tpu.memory_space<semaphore_mem>>
      tpu.enqueue_dma source(%arg3 : memref<80xf32, #tpu.memory_space<hbm>>) target(%arg7 : memref<80xf32, #tpu.memory_space<vmem>>) target_semaphore(%run_scoped3A : memref<!tpu.dma_semaphore, #tpu.memory_space<semaphore_mem>>)
      tpu.wait_dma2 semaphore(%run_scoped3A : memref<!tpu.dma_semaphore, #tpu.memory_space<semaphore_mem>>) src(%arg3 : memref<80xf32, #tpu.memory_space<hbm>>) dst(%arg7 : memref<80xf32, #tpu.memory_space<vmem>>)
      tpu.yield
    }) : () -> ()
    "tpu.region"() ({
      %run_scoped3A = tpu.sem_alloc : memref<!tpu.dma_semaphore, #tpu.memory_space<semaphore_mem>>
      %dma_start3A_123 = arith.constant 0 : i32
      %dma_start3A_124 = arith.constant 0 : i32
      %dma_start3A_125 = arith.constant 0 : i32
      %dma_start3A_126 = tpu.memref_slice %arg2[%add3A, %dma_start3A_123, %dma_start3A_124, %dma_start3A_125] : memref<32x125x1x80xi32, #tpu.memory_space<hbm>> -> memref<1x125x1x80xi32, #tpu.memory_space<hbm>>
      %dma_start3A_127 = tpu.memref_squeeze %dma_start3A_126 : memref<1x125x1x80xi32, #tpu.memory_space<hbm>> -> memref<125x1x80xi32, #tpu.memory_space<hbm>>
      %dma_start3A_128 = arith.constant 0 : i32
      %dma_start3A_129 = arith.constant 0 : i32
      %dma_start3A_130 = arith.constant 0 : i32
      %dma_start3A_131 = tpu.memref_slice %arg2[%add3A, %dma_start3A_128, %dma_start3A_129, %dma_start3A_130] : memref<32x125x1x80xi32, #tpu.memory_space<hbm>> -> memref<1x125x1x80xi32, #tpu.memory_space<hbm>>
      %dma_start3A_132 = tpu.memref_squeeze %dma_start3A_131 : memref<1x125x1x80xi32, #tpu.memory_space<hbm>> -> memref<125x1x80xi32, #tpu.memory_space<hbm>>
      tpu.enqueue_dma source(%dma_start3A_132 : memref<125x1x80xi32, #tpu.memory_space<hbm>>) target(%arg6 : memref<125x1x80xi32, #tpu.memory_space<vmem>>) target_semaphore(%run_scoped3A : memref<!tpu.dma_semaphore, #tpu.memory_space<semaphore_mem>>)
      %dma_wait3A_133 = arith.constant 0 : i32
      %dma_wait3A_134 = arith.constant 0 : i32
      %dma_wait3A_135 = arith.constant 0 : i32
      %dma_wait3A_136 = tpu.memref_slice %arg2[%add3A, %dma_wait3A_133, %dma_wait3A_134, %dma_wait3A_135] : memref<32x125x1x80xi32, #tpu.memory_space<hbm>> -> memref<1x125x1x80xi32, #tpu.memory_space<hbm>>
      %dma_wait3A_137 = tpu.memref_squeeze %dma_wait3A_136 : memref<1x125x1x80xi32, #tpu.memory_space<hbm>> -> memref<125x1x80xi32, #tpu.memory_space<hbm>>
      %dma_wait3A_138 = arith.constant 0 : i32
      %dma_wait3A_139 = arith.constant 0 : i32
      %dma_wait3A_140 = arith.constant 0 : i32
      %dma_wait3A_141 = tpu.memref_slice %arg2[%add3A, %dma_wait3A_138, %dma_wait3A_139, %dma_wait3A_140] : memref<32x125x1x80xi32, #tpu.memory_space<hbm>> -> memref<1x125x1x80xi32, #tpu.memory_space<hbm>>
      %dma_wait3A_142 = tpu.memref_squeeze %dma_wait3A_141 : memref<1x125x1x80xi32, #tpu.memory_space<hbm>> -> memref<125x1x80xi32, #tpu.memory_space<hbm>>
      tpu.wait_dma2 semaphore(%run_scoped3A : memref<!tpu.dma_semaphore, #tpu.memory_space<semaphore_mem>>) src(%dma_wait3A_142 : memref<125x1x80xi32, #tpu.memory_space<hbm>>) dst(%arg6 : memref<125x1x80xi32, #tpu.memory_space<vmem>>)
      tpu.yield
    }) : () -> ()
    %barrier3A = arith.constant 0 : index
    tpu.barrier barrier_id(%barrier3A)
    %dma_start3A = arith.constant 0 : i32
    %dma_start3A_3 = arith.constant 0 : i32
    %dma_start3A_4 = arith.constant 0 : i32
    %dma_start3A_5 = tpu.memref_slice %arg6[%dma_start3A, %dma_start3A_3, %dma_start3A_4] : memref<125x1x80xi32, #tpu.memory_space<vmem>> -> memref<1x1x80xi32, #tpu.memory_space<vmem>>
    %dma_start3A_6 = tpu.memref_squeeze %dma_start3A_5 : memref<1x1x80xi32, #tpu.memory_space<vmem>> -> memref<80xi32, #tpu.memory_space<vmem>>
    %dma_start3A_7 = arith.constant 0 : i32
    %dma_start3A_8 = tpu.memref_slice %arg8[%dma_start3A_7] : memref<10240xf32, #tpu.memory_space<vmem_shared>> -> memref<10240xf32, #tpu.memory_space<vmem_shared>>
    tpu.enqueue_indirect_dma source(%arg7 : memref<80xf32, #tpu.memory_space<vmem>>) target(%dma_start3A_8 : memref<10240xf32, #tpu.memory_space<vmem_shared>>) offsets(%dma_start3A_6 : memref<80xi32, #tpu.memory_space<vmem>>) semaphore(%arg9 : memref<!tpu.dma_semaphore, #tpu.memory_space<semaphore_mem>>) {add = true}
    %dma_start3A_9 = arith.constant 1 : i32
    %dma_start3A_10 = arith.constant 0 : i32
    %dma_start3A_11 = arith.constant 0 : i32
    %dma_start3A_12 = tpu.memref_slice %arg6[%dma_start3A_9, %dma_start3A_10, %dma_start3A_11] : memref<125x1x80xi32, #tpu.memory_space<vmem>> -> memref<1x1x80xi32, #tpu.memory_space<vmem>>
    %dma_start3A_13 = tpu.memref_squeeze %dma_start3A_12 : memref<1x1x80xi32, #tpu.memory_space<vmem>> -> memref<80xi32, #tpu.memory_space<vmem>>
    %dma_start3A_14 = arith.constant 0 : i32
    %dma_start3A_15 = tpu.memref_slice %arg8[%dma_start3A_14] : memref<10240xf32, #tpu.memory_space<vmem_shared>> -> memref<10240xf32, #tpu.memory_space<vmem_shared>>
    tpu.enqueue_indirect_dma source(%arg7 : memref<80xf32, #tpu.memory_space<vmem>>) target(%dma_start3A_15 : memref<10240xf32, #tpu.memory_space<vmem_shared>>) offsets(%dma_start3A_13 : memref<80xi32, #tpu.memory_space<vmem>>) semaphore(%arg9 : memref<!tpu.dma_semaphore, #tpu.memory_space<semaphore_mem>>) {add = true}
    %dma_start3A_16 = arith.constant 2 : i32
    %dma_start3A_17 = arith.constant 0 : i32
    %dma_start3A_18 = arith.constant 0 : i32
    %dma_start3A_19 = tpu.memref_slice %arg6[%dma_start3A_16, %dma_start3A_17, %dma_start3A_18] : memref<125x1x80xi32, #tpu.memory_space<vmem>> -> memref<1x1x80xi32, #tpu.memory_space<vmem>>
    %dma_start3A_20 = tpu.memref_squeeze %dma_start3A_19 : memref<1x1x80xi32, #tpu.memory_space<vmem>> -> memref<80xi32, #tpu.memory_space<vmem>>
    %dma_start3A_21 = arith.constant 0 : i32
    %dma_start3A_22 = tpu.memref_slice %arg8[%dma_start3A_21] : memref<10240xf32, #tpu.memory_space<vmem_shared>> -> memref<10240xf32, #tpu.memory_space<vmem_shared>>
    tpu.enqueue_indirect_dma source(%arg7 : memref<80xf32, #tpu.memory_space<vmem>>) target(%dma_start3A_22 : memref<10240xf32, #tpu.memory_space<vmem_shared>>) offsets(%dma_start3A_20 : memref<80xi32, #tpu.memory_space<vmem>>) semaphore(%arg9 : memref<!tpu.dma_semaphore, #tpu.memory_space<semaphore_mem>>) {add = true}
    %dma_start3A_23 = arith.constant 3 : i32
    %dma_start3A_24 = arith.constant 0 : i32
    %dma_start3A_25 = arith.constant 0 : i32
    %dma_start3A_26 = tpu.memref_slice %arg6[%dma_start3A_23, %dma_start3A_24, %dma_start3A_25] : memref<125x1x80xi32, #tpu.memory_space<vmem>> -> memref<1x1x80xi32, #tpu.memory_space<vmem>>
    %dma_start3A_27 = tpu.memref_squeeze %dma_start3A_26 : memref<1x1x80xi32, #tpu.memory_space<vmem>> -> memref<80xi32, #tpu.memory_space<vmem>>
    %dma_start3A_28 = arith.constant 0 : i32
    %dma_start3A_29 = tpu.memref_slice %arg8[%dma_start3A_28] : memref<10240xf32, #tpu.memory_space<vmem_shared>> -> memref<10240xf32, #tpu.memory_space<vmem_shared>>
    tpu.enqueue_indirect_dma source(%arg7 : memref<80xf32, #tpu.memory_space<vmem>>) target(%dma_start3A_29 : memref<10240xf32, #tpu.memory_space<vmem_shared>>) offsets(%dma_start3A_27 : memref<80xi32, #tpu.memory_space<vmem>>) semaphore(%arg9 : memref<!tpu.dma_semaphore, #tpu.memory_space<semaphore_mem>>) {add = true}
    %dma_start3A_30 = arith.constant 4 : i32
    %dma_start3A_31 = arith.constant 0 : i32
    %dma_start3A_32 = arith.constant 0 : i32
    %dma_start3A_33 = tpu.memref_slice %arg6[%dma_start3A_30, %dma_start3A_31, %dma_start3A_32] : memref<125x1x80xi32, #tpu.memory_space<vmem>> -> memref<1x1x80xi32, #tpu.memory_space<vmem>>
    %dma_start3A_34 = tpu.memref_squeeze %dma_start3A_33 : memref<1x1x80xi32, #tpu.memory_space<vmem>> -> memref<80xi32, #tpu.memory_space<vmem>>
    %dma_start3A_35 = arith.constant 0 : i32
    %dma_start3A_36 = tpu.memref_slice %arg8[%dma_start3A_35] : memref<10240xf32, #tpu.memory_space<vmem_shared>> -> memref<10240xf32, #tpu.memory_space<vmem_shared>>
    tpu.enqueue_indirect_dma source(%arg7 : memref<80xf32, #tpu.memory_space<vmem>>) target(%dma_start3A_36 : memref<10240xf32, #tpu.memory_space<vmem_shared>>) offsets(%dma_start3A_34 : memref<80xi32, #tpu.memory_space<vmem>>) semaphore(%arg9 : memref<!tpu.dma_semaphore, #tpu.memory_space<semaphore_mem>>) {add = true}
    %dma_start3A_37 = arith.constant 5 : i32
    %dma_start3A_38 = arith.constant 0 : i32
    %dma_start3A_39 = arith.constant 0 : i32
    %dma_start3A_40 = tpu.memref_slice %arg6[%dma_start3A_37, %dma_start3A_38, %dma_start3A_39] : memref<125x1x80xi32, #tpu.memory_space<vmem>> -> memref<1x1x80xi32, #tpu.memory_space<vmem>>
    %dma_start3A_41 = tpu.memref_squeeze %dma_start3A_40 : memref<1x1x80xi32, #tpu.memory_space<vmem>> -> memref<80xi32, #tpu.memory_space<vmem>>
    %dma_start3A_42 = arith.constant 0 : i32
    %dma_start3A_43 = tpu.memref_slice %arg8[%dma_start3A_42] : memref<10240xf32, #tpu.memory_space<vmem_shared>> -> memref<10240xf32, #tpu.memory_space<vmem_shared>>
    tpu.enqueue_indirect_dma source(%arg7 : memref<80xf32, #tpu.memory_space<vmem>>) target(%dma_start3A_43 : memref<10240xf32, #tpu.memory_space<vmem_shared>>) offsets(%dma_start3A_41 : memref<80xi32, #tpu.memory_space<vmem>>) semaphore(%arg9 : memref<!tpu.dma_semaphore, #tpu.memory_space<semaphore_mem>>) {add = true}
    %dma_start3A_44 = arith.constant 6 : i32
    %dma_start3A_45 = arith.constant 0 : i32
    %dma_start3A_46 = arith.constant 0 : i32
    %dma_start3A_47 = tpu.memref_slice %arg6[%dma_start3A_44, %dma_start3A_45, %dma_start3A_46] : memref<125x1x80xi32, #tpu.memory_space<vmem>> -> memref<1x1x80xi32, #tpu.memory_space<vmem>>
    %dma_start3A_48 = tpu.memref_squeeze %dma_start3A_47 : memref<1x1x80xi32, #tpu.memory_space<vmem>> -> memref<80xi32, #tpu.memory_space<vmem>>
    %dma_start3A_49 = arith.constant 0 : i32
    %dma_start3A_50 = tpu.memref_slice %arg8[%dma_start3A_49] : memref<10240xf32, #tpu.memory_space<vmem_shared>> -> memref<10240xf32, #tpu.memory_space<vmem_shared>>
    tpu.enqueue_indirect_dma source(%arg7 : memref<80xf32, #tpu.memory_space<vmem>>) target(%dma_start3A_50 : memref<10240xf32, #tpu.memory_space<vmem_shared>>) offsets(%dma_start3A_48 : memref<80xi32, #tpu.memory_space<vmem>>) semaphore(%arg9 : memref<!tpu.dma_semaphore, #tpu.memory_space<semaphore_mem>>) {add = true}
    %dma_start3A_51 = arith.constant 7 : i32
    %dma_start3A_52 = arith.constant 0 : i32
    %dma_start3A_53 = arith.constant 0 : i32
    %dma_start3A_54 = tpu.memref_slice %arg6[%dma_start3A_51, %dma_start3A_52, %dma_start3A_53] : memref<125x1x80xi32, #tpu.memory_space<vmem>> -> memref<1x1x80xi32, #tpu.memory_space<vmem>>
    %dma_start3A_55 = tpu.memref_squeeze %dma_start3A_54 : memref<1x1x80xi32, #tpu.memory_space<vmem>> -> memref<80xi32, #tpu.memory_space<vmem>>
    %dma_start3A_56 = arith.constant 0 : i32
    %dma_start3A_57 = tpu.memref_slice %arg8[%dma_start3A_56] : memref<10240xf32, #tpu.memory_space<vmem_shared>> -> memref<10240xf32, #tpu.memory_space<vmem_shared>>
    tpu.enqueue_indirect_dma source(%arg7 : memref<80xf32, #tpu.memory_space<vmem>>) target(%dma_start3A_57 : memref<10240xf32, #tpu.memory_space<vmem_shared>>) offsets(%dma_start3A_55 : memref<80xi32, #tpu.memory_space<vmem>>) semaphore(%arg9 : memref<!tpu.dma_semaphore, #tpu.memory_space<semaphore_mem>>) {add = true}
    %scan3A = arith.constant 0 : i32
    %scan3A_58 = arith.constant 0 : i32
    %scan3A_59 = arith.constant 117 : i32
    %scan3A_60 = arith.addi %scan3A_58, %scan3A_59 : i32
    %scan3A_61 = arith.constant 1 : i32
    scf.for %scan3A_123 = %scan3A_58 to %scan3A_60 step %scan3A_61  : i32 {
      %dma_wait3A_124 = arith.constant 0 : i32
      %dma_wait3A_125 = arith.constant 0 : i32
      %dma_wait3A_126 = arith.constant 0 : i32
      %dma_wait3A_127 = tpu.memref_slice %arg6[%dma_wait3A_124, %dma_wait3A_125, %dma_wait3A_126] : memref<125x1x80xi32, #tpu.memory_space<vmem>> -> memref<1x1x80xi32, #tpu.memory_space<vmem>>
      %dma_wait3A_128 = tpu.memref_squeeze %dma_wait3A_127 : memref<1x1x80xi32, #tpu.memory_space<vmem>> -> memref<80xi32, #tpu.memory_space<vmem>>
      %dma_wait3A_129 = arith.constant 0 : i32
      %dma_wait3A_130 = tpu.memref_slice %arg8[%dma_wait3A_129] : memref<10240xf32, #tpu.memory_space<vmem_shared>> -> memref<10240xf32, #tpu.memory_space<vmem_shared>>
      tpu.wait_indirect_dma semaphore(%arg9 : memref<!tpu.dma_semaphore, #tpu.memory_space<semaphore_mem>>) src(%arg7 : memref<80xf32, #tpu.memory_space<vmem>>) dst(%dma_wait3A_130 : memref<10240xf32, #tpu.memory_space<vmem_shared>>)
      %add3A_131 = arith.constant 8 : i32
      %add3A_132 = arith.addi %scan3A_123, %add3A_131 : i32
      %dma_start3A_133 = arith.constant 0 : i32
      %dma_start3A_134 = arith.constant 0 : i32
      %dma_start3A_135 = tpu.memref_slice %arg6[%add3A_132, %dma_start3A_133, %dma_start3A_134] : memref<125x1x80xi32, #tpu.memory_space<vmem>> -> memref<1x1x80xi32, #tpu.memory_space<vmem>>
      %dma_start3A_136 = tpu.memref_squeeze %dma_start3A_135 : memref<1x1x80xi32, #tpu.memory_space<vmem>> -> memref<80xi32, #tpu.memory_space<vmem>>
      %dma_start3A_137 = arith.constant 0 : i32
      %dma_start3A_138 = tpu.memref_slice %arg8[%dma_start3A_137] : memref<10240xf32, #tpu.memory_space<vmem_shared>> -> memref<10240xf32, #tpu.memory_space<vmem_shared>>
      tpu.enqueue_indirect_dma source(%arg7 : memref<80xf32, #tpu.memory_space<vmem>>) target(%dma_start3A_138 : memref<10240xf32, #tpu.memory_space<vmem_shared>>) offsets(%dma_start3A_136 : memref<80xi32, #tpu.memory_space<vmem>>) semaphore(%arg9 : memref<!tpu.dma_semaphore, #tpu.memory_space<semaphore_mem>>) {add = true}
    }
    %scan3A_62 = arith.constant 117 : i32
    %dma_wait3A = arith.constant 0 : i32
    %dma_wait3A_63 = arith.constant 0 : i32
    %dma_wait3A_64 = arith.constant 0 : i32
    %dma_wait3A_65 = tpu.memref_slice %arg6[%dma_wait3A, %dma_wait3A_63, %dma_wait3A_64] : memref<125x1x80xi32, #tpu.memory_space<vmem>> -> memref<1x1x80xi32, #tpu.memory_space<vmem>>
    %dma_wait3A_66 = tpu.memref_squeeze %dma_wait3A_65 : memref<1x1x80xi32, #tpu.memory_space<vmem>> -> memref<80xi32, #tpu.memory_space<vmem>>
    %dma_wait3A_67 = arith.constant 0 : i32
    %dma_wait3A_68 = tpu.memref_slice %arg8[%dma_wait3A_67] : memref<10240xf32, #tpu.memory_space<vmem_shared>> -> memref<10240xf32, #tpu.memory_space<vmem_shared>>
    tpu.wait_indirect_dma semaphore(%arg9 : memref<!tpu.dma_semaphore, #tpu.memory_space<semaphore_mem>>) src(%arg7 : memref<80xf32, #tpu.memory_space<vmem>>) dst(%dma_wait3A_68 : memref<10240xf32, #tpu.memory_space<vmem_shared>>)
    %dma_wait3A_69 = arith.constant 0 : i32
    %dma_wait3A_70 = arith.constant 0 : i32
    %dma_wait3A_71 = arith.constant 0 : i32
    %dma_wait3A_72 = tpu.memref_slice %arg6[%dma_wait3A_69, %dma_wait3A_70, %dma_wait3A_71] : memref<125x1x80xi32, #tpu.memory_space<vmem>> -> memref<1x1x80xi32, #tpu.memory_space<vmem>>
    %dma_wait3A_73 = tpu.memref_squeeze %dma_wait3A_72 : memref<1x1x80xi32, #tpu.memory_space<vmem>> -> memref<80xi32, #tpu.memory_space<vmem>>
    %dma_wait3A_74 = arith.constant 0 : i32
    %dma_wait3A_75 = tpu.memref_slice %arg8[%dma_wait3A_74] : memref<10240xf32, #tpu.memory_space<vmem_shared>> -> memref<10240xf32, #tpu.memory_space<vmem_shared>>
    tpu.wait_indirect_dma semaphore(%arg9 : memref<!tpu.dma_semaphore, #tpu.memory_space<semaphore_mem>>) src(%arg7 : memref<80xf32, #tpu.memory_space<vmem>>) dst(%dma_wait3A_75 : memref<10240xf32, #tpu.memory_space<vmem_shared>>)
    %dma_wait3A_76 = arith.constant 0 : i32
    %dma_wait3A_77 = arith.constant 0 : i32
    %dma_wait3A_78 = arith.constant 0 : i32
    %dma_wait3A_79 = tpu.memref_slice %arg6[%dma_wait3A_76, %dma_wait3A_77, %dma_wait3A_78] : memref<125x1x80xi32, #tpu.memory_space<vmem>> -> memref<1x1x80xi32, #tpu.memory_space<vmem>>
    %dma_wait3A_80 = tpu.memref_squeeze %dma_wait3A_79 : memref<1x1x80xi32, #tpu.memory_space<vmem>> -> memref<80xi32, #tpu.memory_space<vmem>>
    %dma_wait3A_81 = arith.constant 0 : i32
    %dma_wait3A_82 = tpu.memref_slice %arg8[%dma_wait3A_81] : memref<10240xf32, #tpu.memory_space<vmem_shared>> -> memref<10240xf32, #tpu.memory_space<vmem_shared>>
    tpu.wait_indirect_dma semaphore(%arg9 : memref<!tpu.dma_semaphore, #tpu.memory_space<semaphore_mem>>) src(%arg7 : memref<80xf32, #tpu.memory_space<vmem>>) dst(%dma_wait3A_82 : memref<10240xf32, #tpu.memory_space<vmem_shared>>)
    %dma_wait3A_83 = arith.constant 0 : i32
    %dma_wait3A_84 = arith.constant 0 : i32
    %dma_wait3A_85 = arith.constant 0 : i32
    %dma_wait3A_86 = tpu.memref_slice %arg6[%dma_wait3A_83, %dma_wait3A_84, %dma_wait3A_85] : memref<125x1x80xi32, #tpu.memory_space<vmem>> -> memref<1x1x80xi32, #tpu.memory_space<vmem>>
    %dma_wait3A_87 = tpu.memref_squeeze %dma_wait3A_86 : memref<1x1x80xi32, #tpu.memory_space<vmem>> -> memref<80xi32, #tpu.memory_space<vmem>>
    %dma_wait3A_88 = arith.constant 0 : i32
    %dma_wait3A_89 = tpu.memref_slice %arg8[%dma_wait3A_88] : memref<10240xf32, #tpu.memory_space<vmem_shared>> -> memref<10240xf32, #tpu.memory_space<vmem_shared>>
    tpu.wait_indirect_dma semaphore(%arg9 : memref<!tpu.dma_semaphore, #tpu.memory_space<semaphore_mem>>) src(%arg7 : memref<80xf32, #tpu.memory_space<vmem>>) dst(%dma_wait3A_89 : memref<10240xf32, #tpu.memory_space<vmem_shared>>)
    %dma_wait3A_90 = arith.constant 0 : i32
    %dma_wait3A_91 = arith.constant 0 : i32
    %dma_wait3A_92 = arith.constant 0 : i32
    %dma_wait3A_93 = tpu.memref_slice %arg6[%dma_wait3A_90, %dma_wait3A_91, %dma_wait3A_92] : memref<125x1x80xi32, #tpu.memory_space<vmem>> -> memref<1x1x80xi32, #tpu.memory_space<vmem>>
    %dma_wait3A_94 = tpu.memref_squeeze %dma_wait3A_93 : memref<1x1x80xi32, #tpu.memory_space<vmem>> -> memref<80xi32, #tpu.memory_space<vmem>>
    %dma_wait3A_95 = arith.constant 0 : i32
    %dma_wait3A_96 = tpu.memref_slice %arg8[%dma_wait3A_95] : memref<10240xf32, #tpu.memory_space<vmem_shared>> -> memref<10240xf32, #tpu.memory_space<vmem_shared>>
    tpu.wait_indirect_dma semaphore(%arg9 : memref<!tpu.dma_semaphore, #tpu.memory_space<semaphore_mem>>) src(%arg7 : memref<80xf32, #tpu.memory_space<vmem>>) dst(%dma_wait3A_96 : memref<10240xf32, #tpu.memory_space<vmem_shared>>)
    %dma_wait3A_97 = arith.constant 0 : i32
    %dma_wait3A_98 = arith.constant 0 : i32
    %dma_wait3A_99 = arith.constant 0 : i32
    %dma_wait3A_100 = tpu.memref_slice %arg6[%dma_wait3A_97, %dma_wait3A_98, %dma_wait3A_99] : memref<125x1x80xi32, #tpu.memory_space<vmem>> -> memref<1x1x80xi32, #tpu.memory_space<vmem>>
    %dma_wait3A_101 = tpu.memref_squeeze %dma_wait3A_100 : memref<1x1x80xi32, #tpu.memory_space<vmem>> -> memref<80xi32, #tpu.memory_space<vmem>>
    %dma_wait3A_102 = arith.constant 0 : i32
    %dma_wait3A_103 = tpu.memref_slice %arg8[%dma_wait3A_102] : memref<10240xf32, #tpu.memory_space<vmem_shared>> -> memref<10240xf32, #tpu.memory_space<vmem_shared>>
    tpu.wait_indirect_dma semaphore(%arg9 : memref<!tpu.dma_semaphore, #tpu.memory_space<semaphore_mem>>) src(%arg7 : memref<80xf32, #tpu.memory_space<vmem>>) dst(%dma_wait3A_103 : memref<10240xf32, #tpu.memory_space<vmem_shared>>)
    %dma_wait3A_104 = arith.constant 0 : i32
    %dma_wait3A_105 = arith.constant 0 : i32
    %dma_wait3A_106 = arith.constant 0 : i32
    %dma_wait3A_107 = tpu.memref_slice %arg6[%dma_wait3A_104, %dma_wait3A_105, %dma_wait3A_106] : memref<125x1x80xi32, #tpu.memory_space<vmem>> -> memref<1x1x80xi32, #tpu.memory_space<vmem>>
    %dma_wait3A_108 = tpu.memref_squeeze %dma_wait3A_107 : memref<1x1x80xi32, #tpu.memory_space<vmem>> -> memref<80xi32, #tpu.memory_space<vmem>>
    %dma_wait3A_109 = arith.constant 0 : i32
    %dma_wait3A_110 = tpu.memref_slice %arg8[%dma_wait3A_109] : memref<10240xf32, #tpu.memory_space<vmem_shared>> -> memref<10240xf32, #tpu.memory_space<vmem_shared>>
    tpu.wait_indirect_dma semaphore(%arg9 : memref<!tpu.dma_semaphore, #tpu.memory_space<semaphore_mem>>) src(%arg7 : memref<80xf32, #tpu.memory_space<vmem>>) dst(%dma_wait3A_110 : memref<10240xf32, #tpu.memory_space<vmem_shared>>)
    %dma_wait3A_111 = arith.constant 0 : i32
    %dma_wait3A_112 = arith.constant 0 : i32
    %dma_wait3A_113 = arith.constant 0 : i32
    %dma_wait3A_114 = tpu.memref_slice %arg6[%dma_wait3A_111, %dma_wait3A_112, %dma_wait3A_113] : memref<125x1x80xi32, #tpu.memory_space<vmem>> -> memref<1x1x80xi32, #tpu.memory_space<vmem>>
    %dma_wait3A_115 = tpu.memref_squeeze %dma_wait3A_114 : memref<1x1x80xi32, #tpu.memory_space<vmem>> -> memref<80xi32, #tpu.memory_space<vmem>>
    %dma_wait3A_116 = arith.constant 0 : i32
    %dma_wait3A_117 = tpu.memref_slice %arg8[%dma_wait3A_116] : memref<10240xf32, #tpu.memory_space<vmem_shared>> -> memref<10240xf32, #tpu.memory_space<vmem_shared>>
    tpu.wait_indirect_dma semaphore(%arg9 : memref<!tpu.dma_semaphore, #tpu.memory_space<semaphore_mem>>) src(%arg7 : memref<80xf32, #tpu.memory_space<vmem>>) dst(%dma_wait3A_117 : memref<10240xf32, #tpu.memory_space<vmem_shared>>)
    %barrier3A_118 = arith.constant 0 : index
    tpu.barrier barrier_id(%barrier3A_118)
    %mul3A_119 = arith.constant 640 : i32
    %mul3A_120 = arith.muli %arg1, %mul3A_119 : i32
    %mul3A_121 = arith.constant 640 : i32
    %mul3A_122 = arith.muli %arg1, %mul3A_121 : i32
    "tpu.region"() ({
      %run_scoped3A = tpu.sem_alloc : memref<!tpu.dma_semaphore, #tpu.memory_space<semaphore_mem>>
      %dma_start3A_123 = tpu.memref_slice %arg5[%arg0, %mul3A_122] : memref<2x10240xf32, #tpu.memory_space<hbm>> -> memref<1x640xf32, #tpu.memory_space<hbm>>
      %dma_start3A_124 = tpu.memref_squeeze %dma_start3A_123 : memref<1x640xf32, #tpu.memory_space<hbm>> -> memref<640xf32, #tpu.memory_space<hbm>>
      %dma_start3A_125 = tpu.memref_slice %arg8[%mul3A_120] : memref<10240xf32, #tpu.memory_space<vmem_shared>> -> memref<640xf32, #tpu.memory_space<vmem_shared>>
      tpu.enqueue_dma source(%dma_start3A_125 : memref<640xf32, #tpu.memory_space<vmem_shared>>) target(%dma_start3A_124 : memref<640xf32, #tpu.memory_space<hbm>>) target_semaphore(%run_scoped3A : memref<!tpu.dma_semaphore, #tpu.memory_space<semaphore_mem>>)
      %dma_wait3A_126 = tpu.memref_slice %arg5[%arg0, %mul3A_122] : memref<2x10240xf32, #tpu.memory_space<hbm>> -> memref<1x640xf32, #tpu.memory_space<hbm>>
      %dma_wait3A_127 = tpu.memref_squeeze %dma_wait3A_126 : memref<1x640xf32, #tpu.memory_space<hbm>> -> memref<640xf32, #tpu.memory_space<hbm>>
      %dma_wait3A_128 = tpu.memref_slice %arg8[%mul3A_120] : memref<10240xf32, #tpu.memory_space<vmem_shared>> -> memref<640xf32, #tpu.memory_space<vmem_shared>>
      tpu.wait_dma2 semaphore(%run_scoped3A : memref<!tpu.dma_semaphore, #tpu.memory_space<semaphore_mem>>) src(%dma_wait3A_128 : memref<640xf32, #tpu.memory_space<vmem_shared>>) dst(%dma_wait3A_127 : memref<640xf32, #tpu.memory_space<hbm>>)
      tpu.yield
    }) : () -> ()
    return
  }
}

#map = affine_map<(d0, d1) -> (0, 0)>
#map1 = affine_map<(d0, d1) -> (0, 0, 0, 0)>
#map2 = affine_map<(d0, d1) -> (0, 0, 0)>
module attributes {stable_mosaic.version = 14 : i64} {
  func.func @_msg_kernel(%arg0: i32, %arg1: i32, %arg2: memref<10000x128xf32, #tpu.memory_space<hbm>>, %arg3: memref<32x125x1x80xi32, #tpu.memory_space<hbm>>, %arg4: memref<32x125x1x80xi32, #tpu.memory_space<hbm>>, %arg5: memref<632x128xf32, #tpu.memory_space<hbm>>, %arg6: memref<2x10112x128xf32, #tpu.memory_space<hbm>>, %arg7: memref<125x1x80xi32, #tpu.memory_space<vmem>>, %arg8: memref<80xi32, #tpu.memory_space<vmem>>, %arg9: memref<80xi32, #tpu.memory_space<vmem>>, %arg10: memref<80x128xf32, #tpu.memory_space<vmem>>, %arg11: memref<80x128xf32, #tpu.memory_space<vmem>>, %arg12: memref<10112x128xf32, #tpu.memory_space<vmem_shared>>, %arg13: memref<!tpu.dma_semaphore, #tpu.memory_space<semaphore_mem>>, %arg14: memref<!tpu.dma_semaphore, #tpu.memory_space<semaphore_mem>>) attributes {dimension_semantics = [#tpu.dimension_semantics<core_parallel>, #tpu.dimension_semantics<subcore_parallel>], iteration_bounds = array<i64: 2, 16>, scalar_prefetch = 0 : i64, scratch_operands = 8 : i64, tpu.core_type = #tpu.core_type<sc_vector_subcore>, window_params = [{transform_indices = #map}, {transform_indices = #map1}, {transform_indices = #map1}, {transform_indices = #map}, {transform_indices = #map2}]} {
    %mul3A = arith.constant 2 : i32
    %mul3A_0 = arith.muli %arg1, %mul3A : i32
    %add3A = arith.addi %mul3A_0, %arg0 : i32
    %mul3A_1 = arith.constant 632 : i32
    %mul3A_2 = arith.muli %arg1, %mul3A_1 : i32
    "tpu.region"() ({
      %run_scoped3A = tpu.sem_alloc : memref<!tpu.dma_semaphore, #tpu.memory_space<semaphore_mem>>
      %dma_start3A_43 = arith.constant 0 : i32
      %dma_start3A_44 = tpu.memref_slice %arg12[%mul3A_2, %dma_start3A_43] : memref<10112x128xf32, #tpu.memory_space<vmem_shared>> -> memref<632x128xf32, #tpu.memory_space<vmem_shared>>
      tpu.enqueue_dma source(%arg5 : memref<632x128xf32, #tpu.memory_space<hbm>>) target(%dma_start3A_44 : memref<632x128xf32, #tpu.memory_space<vmem_shared>>) target_semaphore(%run_scoped3A : memref<!tpu.dma_semaphore, #tpu.memory_space<semaphore_mem>>)
      %dma_wait3A_45 = arith.constant 0 : i32
      %dma_wait3A_46 = tpu.memref_slice %arg12[%mul3A_2, %dma_wait3A_45] : memref<10112x128xf32, #tpu.memory_space<vmem_shared>> -> memref<632x128xf32, #tpu.memory_space<vmem_shared>>
      tpu.wait_dma2 semaphore(%run_scoped3A : memref<!tpu.dma_semaphore, #tpu.memory_space<semaphore_mem>>) src(%arg5 : memref<632x128xf32, #tpu.memory_space<hbm>>) dst(%dma_wait3A_46 : memref<632x128xf32, #tpu.memory_space<vmem_shared>>)
      tpu.yield
    }) : () -> ()
    "tpu.region"() ({
      %run_scoped3A = tpu.sem_alloc : memref<!tpu.dma_semaphore, #tpu.memory_space<semaphore_mem>>
      %dma_start3A_43 = arith.constant 0 : i32
      %dma_start3A_44 = arith.constant 0 : i32
      %dma_start3A_45 = arith.constant 0 : i32
      %dma_start3A_46 = tpu.memref_slice %arg3[%add3A, %dma_start3A_43, %dma_start3A_44, %dma_start3A_45] : memref<32x125x1x80xi32, #tpu.memory_space<hbm>> -> memref<1x125x1x80xi32, #tpu.memory_space<hbm>>
      %dma_start3A_47 = tpu.memref_squeeze %dma_start3A_46 : memref<1x125x1x80xi32, #tpu.memory_space<hbm>> -> memref<125x1x80xi32, #tpu.memory_space<hbm>>
      %dma_start3A_48 = arith.constant 0 : i32
      %dma_start3A_49 = arith.constant 0 : i32
      %dma_start3A_50 = arith.constant 0 : i32
      %dma_start3A_51 = tpu.memref_slice %arg3[%add3A, %dma_start3A_48, %dma_start3A_49, %dma_start3A_50] : memref<32x125x1x80xi32, #tpu.memory_space<hbm>> -> memref<1x125x1x80xi32, #tpu.memory_space<hbm>>
      %dma_start3A_52 = tpu.memref_squeeze %dma_start3A_51 : memref<1x125x1x80xi32, #tpu.memory_space<hbm>> -> memref<125x1x80xi32, #tpu.memory_space<hbm>>
      tpu.enqueue_dma source(%dma_start3A_52 : memref<125x1x80xi32, #tpu.memory_space<hbm>>) target(%arg7 : memref<125x1x80xi32, #tpu.memory_space<vmem>>) target_semaphore(%run_scoped3A : memref<!tpu.dma_semaphore, #tpu.memory_space<semaphore_mem>>)
      %dma_wait3A_53 = arith.constant 0 : i32
      %dma_wait3A_54 = arith.constant 0 : i32
      %dma_wait3A_55 = arith.constant 0 : i32
      %dma_wait3A_56 = tpu.memref_slice %arg3[%add3A, %dma_wait3A_53, %dma_wait3A_54, %dma_wait3A_55] : memref<32x125x1x80xi32, #tpu.memory_space<hbm>> -> memref<1x125x1x80xi32, #tpu.memory_space<hbm>>
      %dma_wait3A_57 = tpu.memref_squeeze %dma_wait3A_56 : memref<1x125x1x80xi32, #tpu.memory_space<hbm>> -> memref<125x1x80xi32, #tpu.memory_space<hbm>>
      %dma_wait3A_58 = arith.constant 0 : i32
      %dma_wait3A_59 = arith.constant 0 : i32
      %dma_wait3A_60 = arith.constant 0 : i32
      %dma_wait3A_61 = tpu.memref_slice %arg3[%add3A, %dma_wait3A_58, %dma_wait3A_59, %dma_wait3A_60] : memref<32x125x1x80xi32, #tpu.memory_space<hbm>> -> memref<1x125x1x80xi32, #tpu.memory_space<hbm>>
      %dma_wait3A_62 = tpu.memref_squeeze %dma_wait3A_61 : memref<1x125x1x80xi32, #tpu.memory_space<hbm>> -> memref<125x1x80xi32, #tpu.memory_space<hbm>>
      tpu.wait_dma2 semaphore(%run_scoped3A : memref<!tpu.dma_semaphore, #tpu.memory_space<semaphore_mem>>) src(%dma_wait3A_62 : memref<125x1x80xi32, #tpu.memory_space<hbm>>) dst(%arg7 : memref<125x1x80xi32, #tpu.memory_space<vmem>>)
      tpu.yield
    }) : () -> ()
    %barrier3A = arith.constant 0 : index
    tpu.barrier barrier_id(%barrier3A)
    %dma_start3A = arith.constant 0 : i32
    %dma_start3A_3 = arith.constant 0 : i32
    %dma_start3A_4 = arith.constant 0 : i32
    %dma_start3A_5 = tpu.memref_slice %arg4[%add3A, %dma_start3A, %dma_start3A_3, %dma_start3A_4] : memref<32x125x1x80xi32, #tpu.memory_space<hbm>> -> memref<1x1x1x80xi32, #tpu.memory_space<hbm>>
    %dma_start3A_6 = tpu.memref_squeeze %dma_start3A_5 : memref<1x1x1x80xi32, #tpu.memory_space<hbm>> -> memref<80xi32, #tpu.memory_space<hbm>>
    %dma_start3A_7 = arith.constant 0 : i32
    %dma_start3A_8 = tpu.memref_slice %arg4[%add3A, %dma_start3A, %dma_start3A_3, %dma_start3A_7] : memref<32x125x1x80xi32, #tpu.memory_space<hbm>> -> memref<1x1x1x80xi32, #tpu.memory_space<hbm>>
    %dma_start3A_9 = tpu.memref_squeeze %dma_start3A_8 : memref<1x1x1x80xi32, #tpu.memory_space<hbm>> -> memref<80xi32, #tpu.memory_space<hbm>>
    tpu.enqueue_dma source(%dma_start3A_9 : memref<80xi32, #tpu.memory_space<hbm>>) target(%arg8 : memref<80xi32, #tpu.memory_space<vmem>>) target_semaphore(%arg13 : memref<!tpu.dma_semaphore, #tpu.memory_space<semaphore_mem>>)
    %dma_start3A_10 = arith.constant 0 : i32
    %dma_start3A_11 = arith.constant 0 : i32
    %dma_start3A_12 = arith.constant 0 : i32
    %dma_start3A_13 = tpu.memref_slice %arg7[%dma_start3A_10, %dma_start3A_11, %dma_start3A_12] : memref<125x1x80xi32, #tpu.memory_space<vmem>> -> memref<1x1x80xi32, #tpu.memory_space<vmem>>
    %dma_start3A_14 = tpu.memref_squeeze %dma_start3A_13 : memref<1x1x80xi32, #tpu.memory_space<vmem>> -> memref<80xi32, #tpu.memory_space<vmem>>
    %dma_start3A_15 = arith.constant 0 : i32
    %dma_start3A_16 = arith.constant 0 : i32
    %dma_start3A_17 = tpu.memref_slice %arg2[%dma_start3A_15, %dma_start3A_16] : memref<10000x128xf32, #tpu.memory_space<hbm>> -> memref<10000x128xf32, #tpu.memory_space<hbm>>
    tpu.enqueue_indirect_dma source(%dma_start3A_17 : memref<10000x128xf32, #tpu.memory_space<hbm>>) target(%arg10 : memref<80x128xf32, #tpu.memory_space<vmem>>) offsets(%dma_start3A_14 : memref<80xi32, #tpu.memory_space<vmem>>) semaphore(%arg13 : memref<!tpu.dma_semaphore, #tpu.memory_space<semaphore_mem>>)
    %scan3A = arith.constant 0 : i32
    %scan3A_18 = arith.constant 0 : i32
    %scan3A_19 = arith.constant 62 : i32
    %scan3A_20 = arith.addi %scan3A_18, %scan3A_19 : i32
    %scan3A_21 = arith.constant 1 : i32
    scf.for %scan3A_43 = %scan3A_18 to %scan3A_20 step %scan3A_21  : i32 {
      %mul3A_44 = arith.constant 2 : i32
      %mul3A_45 = arith.muli %mul3A_44, %scan3A_43 : i32
      %add3A_46 = arith.constant 1 : i32
      %add3A_47 = arith.addi %mul3A_45, %add3A_46 : i32
      %dma_start3A_48 = arith.constant 0 : i32
      %dma_start3A_49 = arith.constant 0 : i32
      %dma_start3A_50 = tpu.memref_slice %arg4[%add3A, %add3A_47, %dma_start3A_48, %dma_start3A_49] : memref<32x125x1x80xi32, #tpu.memory_space<hbm>> -> memref<1x1x1x80xi32, #tpu.memory_space<hbm>>
      %dma_start3A_51 = tpu.memref_squeeze %dma_start3A_50 : memref<1x1x1x80xi32, #tpu.memory_space<hbm>> -> memref<80xi32, #tpu.memory_space<hbm>>
      %dma_start3A_52 = arith.constant 0 : i32
      %dma_start3A_53 = tpu.memref_slice %arg4[%add3A, %add3A_47, %dma_start3A_48, %dma_start3A_52] : memref<32x125x1x80xi32, #tpu.memory_space<hbm>> -> memref<1x1x1x80xi32, #tpu.memory_space<hbm>>
      %dma_start3A_54 = tpu.memref_squeeze %dma_start3A_53 : memref<1x1x1x80xi32, #tpu.memory_space<hbm>> -> memref<80xi32, #tpu.memory_space<hbm>>
      tpu.enqueue_dma source(%dma_start3A_54 : memref<80xi32, #tpu.memory_space<hbm>>) target(%arg9 : memref<80xi32, #tpu.memory_space<vmem>>) target_semaphore(%arg14 : memref<!tpu.dma_semaphore, #tpu.memory_space<semaphore_mem>>)
      %dma_start3A_55 = arith.constant 0 : i32
      %dma_start3A_56 = arith.constant 0 : i32
      %dma_start3A_57 = tpu.memref_slice %arg7[%add3A_47, %dma_start3A_55, %dma_start3A_56] : memref<125x1x80xi32, #tpu.memory_space<vmem>> -> memref<1x1x80xi32, #tpu.memory_space<vmem>>
      %dma_start3A_58 = tpu.memref_squeeze %dma_start3A_57 : memref<1x1x80xi32, #tpu.memory_space<vmem>> -> memref<80xi32, #tpu.memory_space<vmem>>
      %dma_start3A_59 = arith.constant 0 : i32
      %dma_start3A_60 = arith.constant 0 : i32
      %dma_start3A_61 = tpu.memref_slice %arg2[%dma_start3A_59, %dma_start3A_60] : memref<10000x128xf32, #tpu.memory_space<hbm>> -> memref<10000x128xf32, #tpu.memory_space<hbm>>
      tpu.enqueue_indirect_dma source(%dma_start3A_61 : memref<10000x128xf32, #tpu.memory_space<hbm>>) target(%arg11 : memref<80x128xf32, #tpu.memory_space<vmem>>) offsets(%dma_start3A_58 : memref<80xi32, #tpu.memory_space<vmem>>) semaphore(%arg14 : memref<!tpu.dma_semaphore, #tpu.memory_space<semaphore_mem>>)
      %dma_wait3A_62 = arith.constant 0 : i32
      %dma_wait3A_63 = arith.constant 0 : i32
      %dma_wait3A_64 = tpu.memref_slice %arg4[%add3A, %mul3A_45, %dma_wait3A_62, %dma_wait3A_63] : memref<32x125x1x80xi32, #tpu.memory_space<hbm>> -> memref<1x1x1x80xi32, #tpu.memory_space<hbm>>
      %dma_wait3A_65 = tpu.memref_squeeze %dma_wait3A_64 : memref<1x1x1x80xi32, #tpu.memory_space<hbm>> -> memref<80xi32, #tpu.memory_space<hbm>>
      %dma_wait3A_66 = arith.constant 0 : i32
      %dma_wait3A_67 = tpu.memref_slice %arg4[%add3A, %mul3A_45, %dma_wait3A_62, %dma_wait3A_66] : memref<32x125x1x80xi32, #tpu.memory_space<hbm>> -> memref<1x1x1x80xi32, #tpu.memory_space<hbm>>
      %dma_wait3A_68 = tpu.memref_squeeze %dma_wait3A_67 : memref<1x1x1x80xi32, #tpu.memory_space<hbm>> -> memref<80xi32, #tpu.memory_space<hbm>>
      tpu.wait_dma2 semaphore(%arg13 : memref<!tpu.dma_semaphore, #tpu.memory_space<semaphore_mem>>) src(%dma_wait3A_68 : memref<80xi32, #tpu.memory_space<hbm>>) dst(%arg8 : memref<80xi32, #tpu.memory_space<vmem>>)
      %dma_wait3A_69 = arith.constant 0 : i32
      %dma_wait3A_70 = arith.constant 0 : i32
      %dma_wait3A_71 = tpu.memref_slice %arg7[%mul3A_45, %dma_wait3A_69, %dma_wait3A_70] : memref<125x1x80xi32, #tpu.memory_space<vmem>> -> memref<1x1x80xi32, #tpu.memory_space<vmem>>
      %dma_wait3A_72 = tpu.memref_squeeze %dma_wait3A_71 : memref<1x1x80xi32, #tpu.memory_space<vmem>> -> memref<80xi32, #tpu.memory_space<vmem>>
      %dma_wait3A_73 = arith.constant 0 : i32
      %dma_wait3A_74 = arith.constant 0 : i32
      %dma_wait3A_75 = tpu.memref_slice %arg2[%dma_wait3A_73, %dma_wait3A_74] : memref<10000x128xf32, #tpu.memory_space<hbm>> -> memref<10000x128xf32, #tpu.memory_space<hbm>>
      tpu.wait_indirect_dma semaphore(%arg13 : memref<!tpu.dma_semaphore, #tpu.memory_space<semaphore_mem>>) src(%dma_wait3A_75 : memref<10000x128xf32, #tpu.memory_space<hbm>>) dst(%arg10 : memref<80x128xf32, #tpu.memory_space<vmem>>)
      "tpu.region"() ({
        %run_scoped3A = tpu.sem_alloc : memref<!tpu.dma_semaphore, #tpu.memory_space<semaphore_mem>>
        %dma_start3A_106 = arith.constant 0 : i32
        %dma_start3A_107 = arith.constant 0 : i32
        %dma_start3A_108 = tpu.memref_slice %arg12[%dma_start3A_106, %dma_start3A_107] : memref<10112x128xf32, #tpu.memory_space<vmem_shared>> -> memref<10112x128xf32, #tpu.memory_space<vmem_shared>>
        tpu.enqueue_indirect_dma source(%arg10 : memref<80x128xf32, #tpu.memory_space<vmem>>) target(%dma_start3A_108 : memref<10112x128xf32, #tpu.memory_space<vmem_shared>>) offsets(%arg8 : memref<80xi32, #tpu.memory_space<vmem>>) semaphore(%run_scoped3A : memref<!tpu.dma_semaphore, #tpu.memory_space<semaphore_mem>>) {add = true}
        %dma_wait3A_109 = arith.constant 0 : i32
        %dma_wait3A_110 = arith.constant 0 : i32
        %dma_wait3A_111 = tpu.memref_slice %arg12[%dma_wait3A_109, %dma_wait3A_110] : memref<10112x128xf32, #tpu.memory_space<vmem_shared>> -> memref<10112x128xf32, #tpu.memory_space<vmem_shared>>
        tpu.wait_indirect_dma semaphore(%run_scoped3A : memref<!tpu.dma_semaphore, #tpu.memory_space<semaphore_mem>>) src(%arg10 : memref<80x128xf32, #tpu.memory_space<vmem>>) dst(%dma_wait3A_111 : memref<10112x128xf32, #tpu.memory_space<vmem_shared>>)
        tpu.yield
      }) : () -> ()
      %add3A_76 = arith.constant 2 : i32
      %add3A_77 = arith.addi %mul3A_45, %add3A_76 : i32
      %dma_start3A_78 = arith.constant 0 : i32
      %dma_start3A_79 = arith.constant 0 : i32
      %dma_start3A_80 = tpu.memref_slice %arg4[%add3A, %add3A_77, %dma_start3A_78, %dma_start3A_79] : memref<32x125x1x80xi32, #tpu.memory_space<hbm>> -> memref<1x1x1x80xi32, #tpu.memory_space<hbm>>
      %dma_start3A_81 = tpu.memref_squeeze %dma_start3A_80 : memref<1x1x1x80xi32, #tpu.memory_space<hbm>> -> memref<80xi32, #tpu.memory_space<hbm>>
      %dma_start3A_82 = arith.constant 0 : i32
      %dma_start3A_83 = tpu.memref_slice %arg4[%add3A, %add3A_77, %dma_start3A_78, %dma_start3A_82] : memref<32x125x1x80xi32, #tpu.memory_space<hbm>> -> memref<1x1x1x80xi32, #tpu.memory_space<hbm>>
      %dma_start3A_84 = tpu.memref_squeeze %dma_start3A_83 : memref<1x1x1x80xi32, #tpu.memory_space<hbm>> -> memref<80xi32, #tpu.memory_space<hbm>>
      tpu.enqueue_dma source(%dma_start3A_84 : memref<80xi32, #tpu.memory_space<hbm>>) target(%arg8 : memref<80xi32, #tpu.memory_space<vmem>>) target_semaphore(%arg13 : memref<!tpu.dma_semaphore, #tpu.memory_space<semaphore_mem>>)
      %dma_start3A_85 = arith.constant 0 : i32
      %dma_start3A_86 = arith.constant 0 : i32
      %dma_start3A_87 = tpu.memref_slice %arg7[%add3A_77, %dma_start3A_85, %dma_start3A_86] : memref<125x1x80xi32, #tpu.memory_space<vmem>> -> memref<1x1x80xi32, #tpu.memory_space<vmem>>
      %dma_start3A_88 = tpu.memref_squeeze %dma_start3A_87 : memref<1x1x80xi32, #tpu.memory_space<vmem>> -> memref<80xi32, #tpu.memory_space<vmem>>
      %dma_start3A_89 = arith.constant 0 : i32
      %dma_start3A_90 = arith.constant 0 : i32
      %dma_start3A_91 = tpu.memref_slice %arg2[%dma_start3A_89, %dma_start3A_90] : memref<10000x128xf32, #tpu.memory_space<hbm>> -> memref<10000x128xf32, #tpu.memory_space<hbm>>
      tpu.enqueue_indirect_dma source(%dma_start3A_91 : memref<10000x128xf32, #tpu.memory_space<hbm>>) target(%arg10 : memref<80x128xf32, #tpu.memory_space<vmem>>) offsets(%dma_start3A_88 : memref<80xi32, #tpu.memory_space<vmem>>) semaphore(%arg13 : memref<!tpu.dma_semaphore, #tpu.memory_space<semaphore_mem>>)
      %dma_wait3A_92 = arith.constant 0 : i32
      %dma_wait3A_93 = arith.constant 0 : i32
      %dma_wait3A_94 = tpu.memref_slice %arg4[%add3A, %add3A_47, %dma_wait3A_92, %dma_wait3A_93] : memref<32x125x1x80xi32, #tpu.memory_space<hbm>> -> memref<1x1x1x80xi32, #tpu.memory_space<hbm>>
      %dma_wait3A_95 = tpu.memref_squeeze %dma_wait3A_94 : memref<1x1x1x80xi32, #tpu.memory_space<hbm>> -> memref<80xi32, #tpu.memory_space<hbm>>
      %dma_wait3A_96 = arith.constant 0 : i32
      %dma_wait3A_97 = tpu.memref_slice %arg4[%add3A, %add3A_47, %dma_wait3A_92, %dma_wait3A_96] : memref<32x125x1x80xi32, #tpu.memory_space<hbm>> -> memref<1x1x1x80xi32, #tpu.memory_space<hbm>>
      %dma_wait3A_98 = tpu.memref_squeeze %dma_wait3A_97 : memref<1x1x1x80xi32, #tpu.memory_space<hbm>> -> memref<80xi32, #tpu.memory_space<hbm>>
      tpu.wait_dma2 semaphore(%arg14 : memref<!tpu.dma_semaphore, #tpu.memory_space<semaphore_mem>>) src(%dma_wait3A_98 : memref<80xi32, #tpu.memory_space<hbm>>) dst(%arg9 : memref<80xi32, #tpu.memory_space<vmem>>)
      %dma_wait3A_99 = arith.constant 0 : i32
      %dma_wait3A_100 = arith.constant 0 : i32
      %dma_wait3A_101 = tpu.memref_slice %arg7[%add3A_47, %dma_wait3A_99, %dma_wait3A_100] : memref<125x1x80xi32, #tpu.memory_space<vmem>> -> memref<1x1x80xi32, #tpu.memory_space<vmem>>
      %dma_wait3A_102 = tpu.memref_squeeze %dma_wait3A_101 : memref<1x1x80xi32, #tpu.memory_space<vmem>> -> memref<80xi32, #tpu.memory_space<vmem>>
      %dma_wait3A_103 = arith.constant 0 : i32
      %dma_wait3A_104 = arith.constant 0 : i32
      %dma_wait3A_105 = tpu.memref_slice %arg2[%dma_wait3A_103, %dma_wait3A_104] : memref<10000x128xf32, #tpu.memory_space<hbm>> -> memref<10000x128xf32, #tpu.memory_space<hbm>>
      tpu.wait_indirect_dma semaphore(%arg14 : memref<!tpu.dma_semaphore, #tpu.memory_space<semaphore_mem>>) src(%dma_wait3A_105 : memref<10000x128xf32, #tpu.memory_space<hbm>>) dst(%arg11 : memref<80x128xf32, #tpu.memory_space<vmem>>)
      "tpu.region"() ({
        %run_scoped3A = tpu.sem_alloc : memref<!tpu.dma_semaphore, #tpu.memory_space<semaphore_mem>>
        %dma_start3A_106 = arith.constant 0 : i32
        %dma_start3A_107 = arith.constant 0 : i32
        %dma_start3A_108 = tpu.memref_slice %arg12[%dma_start3A_106, %dma_start3A_107] : memref<10112x128xf32, #tpu.memory_space<vmem_shared>> -> memref<10112x128xf32, #tpu.memory_space<vmem_shared>>
        tpu.enqueue_indirect_dma source(%arg11 : memref<80x128xf32, #tpu.memory_space<vmem>>) target(%dma_start3A_108 : memref<10112x128xf32, #tpu.memory_space<vmem_shared>>) offsets(%arg9 : memref<80xi32, #tpu.memory_space<vmem>>) semaphore(%run_scoped3A : memref<!tpu.dma_semaphore, #tpu.memory_space<semaphore_mem>>) {add = true}
        %dma_wait3A_109 = arith.constant 0 : i32
        %dma_wait3A_110 = arith.constant 0 : i32
        %dma_wait3A_111 = tpu.memref_slice %arg12[%dma_wait3A_109, %dma_wait3A_110] : memref<10112x128xf32, #tpu.memory_space<vmem_shared>> -> memref<10112x128xf32, #tpu.memory_space<vmem_shared>>
        tpu.wait_indirect_dma semaphore(%run_scoped3A : memref<!tpu.dma_semaphore, #tpu.memory_space<semaphore_mem>>) src(%arg11 : memref<80x128xf32, #tpu.memory_space<vmem>>) dst(%dma_wait3A_111 : memref<10112x128xf32, #tpu.memory_space<vmem_shared>>)
        tpu.yield
      }) : () -> ()
    }
    %scan3A_22 = arith.constant 62 : i32
    %dma_wait3A = arith.constant 124 : i32
    %dma_wait3A_23 = arith.constant 0 : i32
    %dma_wait3A_24 = arith.constant 0 : i32
    %dma_wait3A_25 = tpu.memref_slice %arg4[%add3A, %dma_wait3A, %dma_wait3A_23, %dma_wait3A_24] : memref<32x125x1x80xi32, #tpu.memory_space<hbm>> -> memref<1x1x1x80xi32, #tpu.memory_space<hbm>>
    %dma_wait3A_26 = tpu.memref_squeeze %dma_wait3A_25 : memref<1x1x1x80xi32, #tpu.memory_space<hbm>> -> memref<80xi32, #tpu.memory_space<hbm>>
    %dma_wait3A_27 = arith.constant 0 : i32
    %dma_wait3A_28 = tpu.memref_slice %arg4[%add3A, %dma_wait3A, %dma_wait3A_23, %dma_wait3A_27] : memref<32x125x1x80xi32, #tpu.memory_space<hbm>> -> memref<1x1x1x80xi32, #tpu.memory_space<hbm>>
    %dma_wait3A_29 = tpu.memref_squeeze %dma_wait3A_28 : memref<1x1x1x80xi32, #tpu.memory_space<hbm>> -> memref<80xi32, #tpu.memory_space<hbm>>
    tpu.wait_dma2 semaphore(%arg13 : memref<!tpu.dma_semaphore, #tpu.memory_space<semaphore_mem>>) src(%dma_wait3A_29 : memref<80xi32, #tpu.memory_space<hbm>>) dst(%arg8 : memref<80xi32, #tpu.memory_space<vmem>>)
    %dma_wait3A_30 = arith.constant 124 : i32
    %dma_wait3A_31 = arith.constant 0 : i32
    %dma_wait3A_32 = arith.constant 0 : i32
    %dma_wait3A_33 = tpu.memref_slice %arg7[%dma_wait3A_30, %dma_wait3A_31, %dma_wait3A_32] : memref<125x1x80xi32, #tpu.memory_space<vmem>> -> memref<1x1x80xi32, #tpu.memory_space<vmem>>
    %dma_wait3A_34 = tpu.memref_squeeze %dma_wait3A_33 : memref<1x1x80xi32, #tpu.memory_space<vmem>> -> memref<80xi32, #tpu.memory_space<vmem>>
    %dma_wait3A_35 = arith.constant 0 : i32
    %dma_wait3A_36 = arith.constant 0 : i32
    %dma_wait3A_37 = tpu.memref_slice %arg2[%dma_wait3A_35, %dma_wait3A_36] : memref<10000x128xf32, #tpu.memory_space<hbm>> -> memref<10000x128xf32, #tpu.memory_space<hbm>>
    tpu.wait_indirect_dma semaphore(%arg13 : memref<!tpu.dma_semaphore, #tpu.memory_space<semaphore_mem>>) src(%dma_wait3A_37 : memref<10000x128xf32, #tpu.memory_space<hbm>>) dst(%arg10 : memref<80x128xf32, #tpu.memory_space<vmem>>)
    "tpu.region"() ({
      %run_scoped3A = tpu.sem_alloc : memref<!tpu.dma_semaphore, #tpu.memory_space<semaphore_mem>>
      %dma_start3A_43 = arith.constant 0 : i32
      %dma_start3A_44 = arith.constant 0 : i32
      %dma_start3A_45 = tpu.memref_slice %arg12[%dma_start3A_43, %dma_start3A_44] : memref<10112x128xf32, #tpu.memory_space<vmem_shared>> -> memref<10112x128xf32, #tpu.memory_space<vmem_shared>>
      tpu.enqueue_indirect_dma source(%arg10 : memref<80x128xf32, #tpu.memory_space<vmem>>) target(%dma_start3A_45 : memref<10112x128xf32, #tpu.memory_space<vmem_shared>>) offsets(%arg8 : memref<80xi32, #tpu.memory_space<vmem>>) semaphore(%run_scoped3A : memref<!tpu.dma_semaphore, #tpu.memory_space<semaphore_mem>>) {add = true}
      %dma_wait3A_46 = arith.constant 0 : i32
      %dma_wait3A_47 = arith.constant 0 : i32
      %dma_wait3A_48 = tpu.memref_slice %arg12[%dma_wait3A_46, %dma_wait3A_47] : memref<10112x128xf32, #tpu.memory_space<vmem_shared>> -> memref<10112x128xf32, #tpu.memory_space<vmem_shared>>
      tpu.wait_indirect_dma semaphore(%run_scoped3A : memref<!tpu.dma_semaphore, #tpu.memory_space<semaphore_mem>>) src(%arg10 : memref<80x128xf32, #tpu.memory_space<vmem>>) dst(%dma_wait3A_48 : memref<10112x128xf32, #tpu.memory_space<vmem_shared>>)
      tpu.yield
    }) : () -> ()
    %barrier3A_38 = arith.constant 0 : index
    tpu.barrier barrier_id(%barrier3A_38)
    %mul3A_39 = arith.constant 632 : i32
    %mul3A_40 = arith.muli %arg1, %mul3A_39 : i32
    %mul3A_41 = arith.constant 632 : i32
    %mul3A_42 = arith.muli %arg1, %mul3A_41 : i32
    "tpu.region"() ({
      %run_scoped3A = tpu.sem_alloc : memref<!tpu.dma_semaphore, #tpu.memory_space<semaphore_mem>>
      %dma_start3A_43 = arith.constant 0 : i32
      %dma_start3A_44 = tpu.memref_slice %arg6[%arg0, %mul3A_42, %dma_start3A_43] : memref<2x10112x128xf32, #tpu.memory_space<hbm>> -> memref<1x632x128xf32, #tpu.memory_space<hbm>>
      %dma_start3A_45 = tpu.memref_squeeze %dma_start3A_44 : memref<1x632x128xf32, #tpu.memory_space<hbm>> -> memref<632x128xf32, #tpu.memory_space<hbm>>
      %dma_start3A_46 = arith.constant 0 : i32
      %dma_start3A_47 = tpu.memref_slice %arg12[%mul3A_40, %dma_start3A_46] : memref<10112x128xf32, #tpu.memory_space<vmem_shared>> -> memref<632x128xf32, #tpu.memory_space<vmem_shared>>
      tpu.enqueue_dma source(%dma_start3A_47 : memref<632x128xf32, #tpu.memory_space<vmem_shared>>) target(%dma_start3A_45 : memref<632x128xf32, #tpu.memory_space<hbm>>) target_semaphore(%run_scoped3A : memref<!tpu.dma_semaphore, #tpu.memory_space<semaphore_mem>>)
      %dma_wait3A_48 = arith.constant 0 : i32
      %dma_wait3A_49 = tpu.memref_slice %arg6[%arg0, %mul3A_42, %dma_wait3A_48] : memref<2x10112x128xf32, #tpu.memory_space<hbm>> -> memref<1x632x128xf32, #tpu.memory_space<hbm>>
      %dma_wait3A_50 = tpu.memref_squeeze %dma_wait3A_49 : memref<1x632x128xf32, #tpu.memory_space<hbm>> -> memref<632x128xf32, #tpu.memory_space<hbm>>
      %dma_wait3A_51 = arith.constant 0 : i32
      %dma_wait3A_52 = tpu.memref_slice %arg12[%mul3A_40, %dma_wait3A_51] : memref<10112x128xf32, #tpu.memory_space<vmem_shared>> -> memref<632x128xf32, #tpu.memory_space<vmem_shared>>
      tpu.wait_dma2 semaphore(%run_scoped3A : memref<!tpu.dma_semaphore, #tpu.memory_space<semaphore_mem>>) src(%dma_wait3A_52 : memref<632x128xf32, #tpu.memory_space<vmem_shared>>) dst(%dma_wait3A_50 : memref<632x128xf32, #tpu.memory_space<hbm>>)
      tpu.yield
    }) : () -> ()
    return
  }
}

module attributes {stable_mosaic.version = 14 : i64} {
  func.func @_l1_body(%arg0: i32, %arg1: memref<1000x128xf32, #tpu.memory_space<vmem>>, %arg2: memref<128x128xf32, #tpu.memory_space<vmem>>, %arg3: memref<1000x1xf32, #tpu.memory_space<vmem>>, %arg4: memref<1000x1xf32, #tpu.memory_space<vmem>>, %arg5: memref<1000x128xf32, #tpu.memory_space<vmem>>) attributes {dimension_semantics = [#tpu.dimension_semantics<arbitrary>], iteration_bounds = array<i64: 10>, scalar_prefetch = 0 : i64, scratch_operands = 0 : i64, tpu.core_type = #tpu.core_type<tc>, window_params = [{transform_indices = @transform_0, window_bounds = array<i64: 1000, 128>}, {pipeline_mode = #tpu.pipeline_mode<synchronous>, transform_indices = @transform_1, window_bounds = array<i64: 128, 128>}, {transform_indices = @transform_2, window_bounds = array<i64: 1000, 1>}, {transform_indices = @transform_3, window_bounds = array<i64: 1000, 1>}, {transform_indices = @transform_4, window_bounds = array<i64: 1000, 128>}]} {
    %get3A = arith.constant 0 : index
    %get3A_0 = arith.constant 0 : index
    %get3A_1 = vector.load %arg3[%get3A, %get3A_0] : memref<1000x1xf32, #tpu.memory_space<vmem>>, vector<1000x1xf32>
    %get3A_2 = arith.constant 0 : index
    %get3A_3 = arith.constant 0 : index
    %get3A_4 = vector.load %arg4[%get3A_2, %get3A_3] : memref<1000x1xf32, #tpu.memory_space<vmem>>, vector<1000x1xf32>
    %add3A = arith.addf %get3A_1, %get3A_4 : vector<1000x1xf32>
    %add3A_5 = arith.constant 1.000000e+00 : f32
    %add3A_6 = vector.broadcast %add3A_5 : f32 to vector<1000x1xf32>
    %add3A_7 = arith.addf %add3A, %add3A_6 : vector<1000x1xf32>
    %rsqrt3A = math.rsqrt %add3A_7 : vector<1000x1xf32>
    %get3A_8 = arith.constant 0 : index
    %get3A_9 = arith.constant 0 : index
    %get3A_10 = vector.load %arg1[%get3A_8, %get3A_9] : memref<1000x128xf32, #tpu.memory_space<vmem>>, vector<1000x128xf32>
    %get3A_11 = arith.constant 0 : index
    %get3A_12 = arith.constant 0 : index
    %get3A_13 = vector.load %arg2[%get3A_11, %get3A_12] : memref<128x128xf32, #tpu.memory_space<vmem>>, vector<128x128xf32>
    %dot_general3A = arith.constant dense<0.000000e+00> : vector<1000x128xf32>
    %dot_general3A_14 = tpu.matmul %get3A_10, %get3A_13, %dot_general3A {dimension_numbers = #tpu.dot_dimension_numbers<[1], [0], [0], [1], [0, 0, 1, 1], [], []>, transpose_lhs_hint = false} : vector<1000x128xf32>, vector<128x128xf32>, vector<1000x128xf32> -> vector<1000x128xf32>
    %mul3A = vector.broadcast %rsqrt3A : vector<1000x1xf32> to vector<1000x128xf32>
    %mul3A_15 = arith.mulf %dot_general3A_14, %mul3A : vector<1000x128xf32>
    %swap3A = arith.constant 0 : index
    %swap3A_16 = arith.constant 0 : index
    %swap3A_17 = vector.load %arg5[%swap3A, %swap3A_16] : memref<1000x128xf32, #tpu.memory_space<vmem>>, vector<1000x128xf32>
    tpu.vector_store %arg5[%swap3A, %swap3A_16], %mul3A_15 {strides = array<i32>} : memref<1000x128xf32, #tpu.memory_space<vmem>>, vector<1000x128xf32>,
    return
  }
  func.func @transform_0(%arg0: i32) -> (i32, i32) {
    %c0_i32 = arith.constant 0 : i32
    %c0_i32_0 = arith.constant 0 : i32
    return %arg0, %c0_i32 : i32, i32
  }
  func.func @transform_1(%arg0: i32) -> (i32, i32) {
    %c0_i32 = arith.constant 0 : i32
    %c0_i32_0 = arith.constant 0 : i32
    %c0_i32_1 = arith.constant 0 : i32
    return %c0_i32, %c0_i32_0 : i32, i32
  }
  func.func @transform_2(%arg0: i32) -> (i32, i32) {
    %c0_i32 = arith.constant 0 : i32
    %c0_i32_0 = arith.constant 0 : i32
    return %arg0, %c0_i32 : i32, i32
  }
  func.func @transform_3(%arg0: i32) -> (i32, i32) {
    %c0_i32 = arith.constant 0 : i32
    %c0_i32_0 = arith.constant 0 : i32
    return %arg0, %c0_i32 : i32, i32
  }
  func.func @transform_4(%arg0: i32) -> (i32, i32) {
    %c0_i32 = arith.constant 0 : i32
    %c0_i32_0 = arith.constant 0 : i32
    return %arg0, %c0_i32 : i32, i32
  }
}

module attributes {stable_mosaic.version = 14 : i64} {
  func.func @_l2_body(%arg0: i32, %arg1: memref<1x1000x128xf32, #tpu.memory_space<vmem>>, %arg2: memref<1x1000x128xf32, #tpu.memory_space<vmem>>, %arg3: memref<1000x128xf32, #tpu.memory_space<vmem>>, %arg4: memref<1000x1xf32, #tpu.memory_space<vmem>>, %arg5: memref<1000x1xf32, #tpu.memory_space<vmem>>, %arg6: memref<1x128xf32, #tpu.memory_space<vmem>>, %arg7: memref<128x128xf32, #tpu.memory_space<vmem>>, %arg8: memref<1000x128xf32, #tpu.memory_space<vmem>>) attributes {dimension_semantics = [#tpu.dimension_semantics<arbitrary>], iteration_bounds = array<i64: 10>, scalar_prefetch = 0 : i64, scratch_operands = 0 : i64, tpu.core_type = #tpu.core_type<tc>, window_params = [{transform_indices = @transform_0, window_bounds = array<i64: 1, 1000, 128>}, {transform_indices = @transform_1, window_bounds = array<i64: 1, 1000, 128>}, {transform_indices = @transform_2, window_bounds = array<i64: 1000, 128>}, {transform_indices = @transform_3, window_bounds = array<i64: 1000, 1>}, {transform_indices = @transform_4, window_bounds = array<i64: 1000, 1>}, {pipeline_mode = #tpu.pipeline_mode<synchronous>, transform_indices = @transform_5, window_bounds = array<i64: 1, 128>}, {pipeline_mode = #tpu.pipeline_mode<synchronous>, transform_indices = @transform_6, window_bounds = array<i64: 128, 128>}, {transform_indices = @transform_7, window_bounds = array<i64: 1000, 128>}]} {
    %get3A = arith.constant 0 : index
    %get3A_0 = arith.constant 0 : index
    %get3A_1 = vector.load %arg4[%get3A, %get3A_0] : memref<1000x1xf32, #tpu.memory_space<vmem>>, vector<1000x1xf32>
    %get3A_2 = arith.constant 0 : index
    %get3A_3 = arith.constant 0 : index
    %get3A_4 = vector.load %arg5[%get3A_2, %get3A_3] : memref<1000x1xf32, #tpu.memory_space<vmem>>, vector<1000x1xf32>
    %add3A = arith.addf %get3A_1, %get3A_4 : vector<1000x1xf32>
    %add3A_5 = arith.constant 1.000000e+00 : f32
    %add3A_6 = vector.broadcast %add3A_5 : f32 to vector<1000x1xf32>
    %add3A_7 = arith.addf %add3A, %add3A_6 : vector<1000x1xf32>
    %rsqrt3A = math.rsqrt %add3A_7 : vector<1000x1xf32>
    %get3A_8 = arith.constant 0 : index
    %get3A_9 = arith.constant 0 : index
    %get3A_10 = arith.constant 0 : index
    %get3A_11 = vector.load %arg1[%get3A_8, %get3A_9, %get3A_10] : memref<1x1000x128xf32, #tpu.memory_space<vmem>>, vector<1x1000x128xf32>
    %get3A_12 = vector.shape_cast %get3A_11 : vector<1x1000x128xf32> to vector<1000x128xf32>
    %get3A_13 = arith.constant 0 : index
    %get3A_14 = arith.constant 0 : index
    %get3A_15 = arith.constant 0 : index
    %get3A_16 = vector.load %arg2[%get3A_13, %get3A_14, %get3A_15] : memref<1x1000x128xf32, #tpu.memory_space<vmem>>, vector<1x1000x128xf32>
    %get3A_17 = vector.shape_cast %get3A_16 : vector<1x1000x128xf32> to vector<1000x128xf32>
    %add3A_18 = arith.addf %get3A_12, %get3A_17 : vector<1000x128xf32>
    %get3A_19 = arith.constant 0 : index
    %get3A_20 = arith.constant 0 : index
    %get3A_21 = vector.load %arg3[%get3A_19, %get3A_20] : memref<1000x128xf32, #tpu.memory_space<vmem>>, vector<1000x128xf32>
    %add3A_22 = arith.addf %add3A_18, %get3A_21 : vector<1000x128xf32>
    %mul3A = vector.broadcast %rsqrt3A : vector<1000x1xf32> to vector<1000x128xf32>
    %mul3A_23 = arith.mulf %mul3A, %add3A_22 : vector<1000x128xf32>
    %get3A_24 = arith.constant 0 : index
    %get3A_25 = arith.constant 0 : index
    %get3A_26 = vector.load %arg6[%get3A_24, %get3A_25] : memref<1x128xf32, #tpu.memory_space<vmem>>, vector<1x128xf32>
    %add3A_27 = vector.broadcast %get3A_26 : vector<1x128xf32> to vector<1000x128xf32>
    %add3A_28 = arith.addf %mul3A_23, %add3A_27 : vector<1000x128xf32>
    %max3A = arith.constant 0.000000e+00 : f32
    %max3A_29 = vector.broadcast %max3A : f32 to vector<1000x128xf32>
    %max3A_30 = arith.maximumf %add3A_28, %max3A_29 : vector<1000x128xf32>
    %get3A_31 = arith.constant 0 : index
    %get3A_32 = arith.constant 0 : index
    %get3A_33 = vector.load %arg7[%get3A_31, %get3A_32] : memref<128x128xf32, #tpu.memory_space<vmem>>, vector<128x128xf32>
    %dot_general3A = arith.constant dense<0.000000e+00> : vector<1000x128xf32>
    %dot_general3A_34 = tpu.matmul %max3A_30, %get3A_33, %dot_general3A {dimension_numbers = #tpu.dot_dimension_numbers<[1], [0], [0], [1], [0, 0, 1, 1], [], []>, transpose_lhs_hint = false} : vector<1000x128xf32>, vector<128x128xf32>, vector<1000x128xf32> -> vector<1000x128xf32>
    %mul3A_35 = vector.broadcast %rsqrt3A : vector<1000x1xf32> to vector<1000x128xf32>
    %mul3A_36 = arith.mulf %dot_general3A_34, %mul3A_35 : vector<1000x128xf32>
    %swap3A = arith.constant 0 : index
    %swap3A_37 = arith.constant 0 : index
    %swap3A_38 = vector.load %arg8[%swap3A, %swap3A_37] : memref<1000x128xf32, #tpu.memory_space<vmem>>, vector<1000x128xf32>
    tpu.vector_store %arg8[%swap3A, %swap3A_37], %mul3A_36 {strides = array<i32>} : memref<1000x128xf32, #tpu.memory_space<vmem>>, vector<1000x128xf32>,
    return
  }
  func.func @transform_0(%arg0: i32) -> (i32, i32, i32) {
    %c0_i32 = arith.constant 0 : i32
    %c0_i32_0 = arith.constant 0 : i32
    %c0_i32_1 = arith.constant 0 : i32
    return %c0_i32, %arg0, %c0_i32_0 : i32, i32, i32
  }
  func.func @transform_1(%arg0: i32) -> (i32, i32, i32) {
    %c1_i32 = arith.constant 1 : i32
    %c0_i32 = arith.constant 0 : i32
    %c0_i32_0 = arith.constant 0 : i32
    return %c1_i32, %arg0, %c0_i32 : i32, i32, i32
  }
  func.func @transform_2(%arg0: i32) -> (i32, i32) {
    %c0_i32 = arith.constant 0 : i32
    %c0_i32_0 = arith.constant 0 : i32
    return %arg0, %c0_i32 : i32, i32
  }
  func.func @transform_3(%arg0: i32) -> (i32, i32) {
    %c0_i32 = arith.constant 0 : i32
    %c0_i32_0 = arith.constant 0 : i32
    return %arg0, %c0_i32 : i32, i32
  }
  func.func @transform_4(%arg0: i32) -> (i32, i32) {
    %c0_i32 = arith.constant 0 : i32
    %c0_i32_0 = arith.constant 0 : i32
    return %arg0, %c0_i32 : i32, i32
  }
  func.func @transform_5(%arg0: i32) -> (i32, i32) {
    %c0_i32 = arith.constant 0 : i32
    %c0_i32_0 = arith.constant 0 : i32
    %c0_i32_1 = arith.constant 0 : i32
    return %c0_i32, %c0_i32_0 : i32, i32
  }
  func.func @transform_6(%arg0: i32) -> (i32, i32) {
    %c0_i32 = arith.constant 0 : i32
    %c0_i32_0 = arith.constant 0 : i32
    %c0_i32_1 = arith.constant 0 : i32
    return %c0_i32, %c0_i32_0 : i32, i32
  }
  func.func @transform_7(%arg0: i32) -> (i32, i32) {
    %c0_i32 = arith.constant 0 : i32
    %c0_i32_0 = arith.constant 0 : i32
    return %arg0, %c0_i32 : i32, i32
  }
}

module attributes {stable_mosaic.version = 14 : i64} {
  func.func @_out_body(%arg0: i32, %arg1: memref<1x1000x128xf32, #tpu.memory_space<vmem>>, %arg2: memref<1x1000x128xf32, #tpu.memory_space<vmem>>, %arg3: memref<1000x128xf32, #tpu.memory_space<vmem>>, %arg4: memref<1000x1xf32, #tpu.memory_space<vmem>>, %arg5: memref<1000x1xf32, #tpu.memory_space<vmem>>, %arg6: memref<1x128xf32, #tpu.memory_space<vmem>>, %arg7: memref<1000x128xf32, #tpu.memory_space<vmem>>) attributes {dimension_semantics = [#tpu.dimension_semantics<arbitrary>], iteration_bounds = array<i64: 10>, scalar_prefetch = 0 : i64, scratch_operands = 0 : i64, tpu.core_type = #tpu.core_type<tc>, window_params = [{transform_indices = @transform_0, window_bounds = array<i64: 1, 1000, 128>}, {transform_indices = @transform_1, window_bounds = array<i64: 1, 1000, 128>}, {transform_indices = @transform_2, window_bounds = array<i64: 1000, 128>}, {transform_indices = @transform_3, window_bounds = array<i64: 1000, 1>}, {transform_indices = @transform_4, window_bounds = array<i64: 1000, 1>}, {pipeline_mode = #tpu.pipeline_mode<synchronous>, transform_indices = @transform_5, window_bounds = array<i64: 1, 128>}, {transform_indices = @transform_6, window_bounds = array<i64: 1000, 128>}]} {
    %get3A = arith.constant 0 : index
    %get3A_0 = arith.constant 0 : index
    %get3A_1 = vector.load %arg4[%get3A, %get3A_0] : memref<1000x1xf32, #tpu.memory_space<vmem>>, vector<1000x1xf32>
    %get3A_2 = arith.constant 0 : index
    %get3A_3 = arith.constant 0 : index
    %get3A_4 = vector.load %arg5[%get3A_2, %get3A_3] : memref<1000x1xf32, #tpu.memory_space<vmem>>, vector<1000x1xf32>
    %add3A = arith.addf %get3A_1, %get3A_4 : vector<1000x1xf32>
    %add3A_5 = arith.constant 1.000000e+00 : f32
    %add3A_6 = vector.broadcast %add3A_5 : f32 to vector<1000x1xf32>
    %add3A_7 = arith.addf %add3A, %add3A_6 : vector<1000x1xf32>
    %rsqrt3A = math.rsqrt %add3A_7 : vector<1000x1xf32>
    %get3A_8 = arith.constant 0 : index
    %get3A_9 = arith.constant 0 : index
    %get3A_10 = arith.constant 0 : index
    %get3A_11 = vector.load %arg1[%get3A_8, %get3A_9, %get3A_10] : memref<1x1000x128xf32, #tpu.memory_space<vmem>>, vector<1x1000x128xf32>
    %get3A_12 = vector.shape_cast %get3A_11 : vector<1x1000x128xf32> to vector<1000x128xf32>
    %get3A_13 = arith.constant 0 : index
    %get3A_14 = arith.constant 0 : index
    %get3A_15 = arith.constant 0 : index
    %get3A_16 = vector.load %arg2[%get3A_13, %get3A_14, %get3A_15] : memref<1x1000x128xf32, #tpu.memory_space<vmem>>, vector<1x1000x128xf32>
    %get3A_17 = vector.shape_cast %get3A_16 : vector<1x1000x128xf32> to vector<1000x128xf32>
    %add3A_18 = arith.addf %get3A_12, %get3A_17 : vector<1000x128xf32>
    %get3A_19 = arith.constant 0 : index
    %get3A_20 = arith.constant 0 : index
    %get3A_21 = vector.load %arg3[%get3A_19, %get3A_20] : memref<1000x128xf32, #tpu.memory_space<vmem>>, vector<1000x128xf32>
    %add3A_22 = arith.addf %add3A_18, %get3A_21 : vector<1000x128xf32>
    %mul3A = vector.broadcast %rsqrt3A : vector<1000x1xf32> to vector<1000x128xf32>
    %mul3A_23 = arith.mulf %mul3A, %add3A_22 : vector<1000x128xf32>
    %get3A_24 = arith.constant 0 : index
    %get3A_25 = arith.constant 0 : index
    %get3A_26 = vector.load %arg6[%get3A_24, %get3A_25] : memref<1x128xf32, #tpu.memory_space<vmem>>, vector<1x128xf32>
    %add3A_27 = vector.broadcast %get3A_26 : vector<1x128xf32> to vector<1000x128xf32>
    %add3A_28 = arith.addf %mul3A_23, %add3A_27 : vector<1000x128xf32>
    %reduce_max3A = arith.constant dense<0xFF800000> : vector<1000xf32>
    %reduce_max3A_29 = vector.multi_reduction <maximumf>, %add3A_28, %reduce_max3A [1] : vector<1000x128xf32> to vector<1000xf32>
    %broadcast_in_dim3A = vector.shape_cast %reduce_max3A_29 : vector<1000xf32> to vector<1000x1xf32>
    %sub3A = vector.broadcast %broadcast_in_dim3A : vector<1000x1xf32> to vector<1000x128xf32>
    %sub3A_30 = arith.subf %add3A_28, %sub3A : vector<1000x128xf32>
    %exp3A = math.exp %sub3A_30 : vector<1000x128xf32>
    %reduce_sum3A = arith.constant dense<0.000000e+00> : vector<1000xf32>
    %reduce_sum3A_31 = vector.multi_reduction <add>, %exp3A, %reduce_sum3A [1] : vector<1000x128xf32> to vector<1000xf32>
    %broadcast_in_dim3A_32 = vector.shape_cast %reduce_sum3A_31 : vector<1000xf32> to vector<1000x1xf32>
    %log3A = math.log %broadcast_in_dim3A_32 : vector<1000x1xf32>
    %add3A_33 = arith.addf %log3A, %broadcast_in_dim3A : vector<1000x1xf32>
    %sub3A_34 = vector.broadcast %add3A_33 : vector<1000x1xf32> to vector<1000x128xf32>
    %sub3A_35 = arith.subf %add3A_28, %sub3A_34 : vector<1000x128xf32>
    %swap3A = arith.constant 0 : index
    %swap3A_36 = arith.constant 0 : index
    %swap3A_37 = vector.load %arg7[%swap3A, %swap3A_36] : memref<1000x128xf32, #tpu.memory_space<vmem>>, vector<1000x128xf32>
    tpu.vector_store %arg7[%swap3A, %swap3A_36], %sub3A_35 {strides = array<i32>} : memref<1000x128xf32, #tpu.memory_space<vmem>>, vector<1000x128xf32>,
    return
  }
  func.func @transform_0(%arg0: i32) -> (i32, i32, i32) {
    %c0_i32 = arith.constant 0 : i32
    %c0_i32_0 = arith.constant 0 : i32
    %c0_i32_1 = arith.constant 0 : i32
    return %c0_i32, %arg0, %c0_i32_0 : i32, i32, i32
  }
  func.func @transform_1(%arg0: i32) -> (i32, i32, i32) {
    %c1_i32 = arith.constant 1 : i32
    %c0_i32 = arith.constant 0 : i32
    %c0_i32_0 = arith.constant 0 : i32
    return %c1_i32, %arg0, %c0_i32 : i32, i32, i32
  }
  func.func @transform_2(%arg0: i32) -> (i32, i32) {
    %c0_i32 = arith.constant 0 : i32
    %c0_i32_0 = arith.constant 0 : i32
    return %arg0, %c0_i32 : i32, i32
  }
  func.func @transform_3(%arg0: i32) -> (i32, i32) {
    %c0_i32 = arith.constant 0 : i32
    %c0_i32_0 = arith.constant 0 : i32
    return %arg0, %c0_i32 : i32, i32
  }
  func.func @transform_4(%arg0: i32) -> (i32, i32) {
    %c0_i32 = arith.constant 0 : i32
    %c0_i32_0 = arith.constant 0 : i32
    return %arg0, %c0_i32 : i32, i32
  }
  func.func @transform_5(%arg0: i32) -> (i32, i32) {
    %c0_i32 = arith.constant 0 : i32
    %c0_i32_0 = arith.constant 0 : i32
    %c0_i32_1 = arith.constant 0 : i32
    return %c0_i32, %c0_i32_0 : i32, i32
  }
  func.func @transform_6(%arg0: i32) -> (i32, i32) {
    %c0_i32 = arith.constant 0 : i32
    %c0_i32_0 = arith.constant 0 : i32
    return %arg0, %c0_i32 : i32, i32
  }
}

</mosaic_0001>

<sc_bundles>
// kernel: kernel.11.cloned.1.call-start
scs
__scs_entry_jumppad:
0x0: {  	(pc) =	sbr.rel $0x88, $3  }
0x1: {  	(tag) =	ssettag $0x0;
	lr =	simm.s32 $0x1  }
0x2: {  	[smem:$0x3F9B] =	sst lr;
	_ =	strace $0xD0000000  }
0x3: {  	_ = 	snop  }
0x4: {  	_ = 	snop  }
0x5: {  	_ = 	snop  }
0x6: {  	_ = 	snop  }
0x7: {  	_ = 	snop  }
__scs_overlays_trampoline_lowered:
0x8: {  	[smem:$0x3FAA] =	sst s0  }
0x9: {  	[smem:$0x3FAB] =	sst s1  }
0xa: {  	[smem:$0x3FAC] =	sst s2  }
0xb: {  	[smem:$0x3FAD] =	sst s3  }
0xc: {  	[smem:$0x3FAE] =	sst s4  }
0xd: {  	[smem:$0x3FAF] =	sst s5  }
0xe: {  	[smem:$0x3FB0] =	sst s6  }
0xf: {  	[smem:$0x3FB1] =	sst s7  }
0x10: {  	[smem:$0x3FB2] =	sst s8  }
0x11: {  	[smem:$0x3FB3] =	sst s9;
	s0 =	simm.s32 @!p0 $0x0  }
0x12: {  	s1 =	sld [smem:$0x3F99];
	s0 =	simm.s32 @p0 $0x1  }
0x13: {  	[smem:$0x3FB4] =	sst s0;
	s0 =	simm.s32 @!p1 $0x0  }
0x14: {  	s2 =	sld [smem:$0x3F98];
	s0 =	simm.s32 @p1 $0x1  }
0x15: {  	[smem:$0x3FB5] =	sst s0;
	s0 =	simm.s32 @!p2 $0x0  }
0x16: {  	s3 =	sld [smem:$0x3FDB];
	s0 =	simm.s32 @p2 $0x1  }
0x17: {  	s4 =	simm.s32 $0x1BF5;
	[smem:$0x3FB7] =	sst s0  }
0x18: {  	s0 =	sld [smem:$0x3F9A];
	_ =	swait.ge [sflag:s4], $0x0  }
0x19: {  	s7 =	sld [smem:$0x3F9B]  }
0x1a: {  	s8 =	sadd.s32 $0xFFFFE003, lr  }
0x1b: {  	s9 =	sadd.s32 $0xFFFFFEF7, lr;
	s5 =	simm.s32 $0xFFFFFFFF;
	p2 =	slt.u32 s8, $0xFFFFF086  }
0x1c: {  	p1 =	slt.u32 s9, $0xF7A;
	s5 =	simm.s32 @!p2 $0x0  }
0x1d: {  	s5 =	simm.s32 @p1 $0x1;
	p0 =	seq.s32 s7, s2  }
0x1e: {  	s7 =	smul.u32 @!p0 $0xF7A, s2;
	p2 =	seq.s32 @!p0 s5, $0x0  }
0x1f: {  	s9 =	smul.u32 $0xF7A, s1;
	s8 =	simm.s32 @!p0 $0x1BF5;
	p2 =	por !p2, p0  }
0x20: {  	[sflag:s8] =	ssyncset.s32 @!p0 $0xFFFFF086;
	s6 =	sadd.s32 @!p0 s3, s7;
	s7 =	simm.s32 @!p0 $0x108  }
0x21: {  	s3 =	sadd.s32 s3, s9;
	s6 =	sadd.s32 @!p0 $0x88, s6;
	s7 =	simm.s32 @p2 $0x1082  }
0x22: {  	[simem:s7], [sflag:s8] =	dma.local @!p0 [hbm:s6], $0xF7A  }
0x23: {  	s9 =	sor.u32 $0xD0000000, s2;
	s6 =	simm.s32 $0x108;
	_ =	swait.ge @!p0 [sflag:s8], $0x0  }
0x24: {  	s3 =	sadd.s32 $0x88, s3;
	s6 =	simm.s32 @!p1 $0x1082;
	[sflag:s4] =	ssyncset.s32 $0xFFFFF086  }
0x25: {  	[simem:s6], [sflag:s4] =	dma.local [hbm:s3], $0xF7A  }
0x26: {  	[smem:$0x3F9B] =	sst s1;
	(tag) =	ssettag s2;
	_ =	strace s9  }
0x27: {  	s1 =	sld [smem:$0x3FAB]  }
0x28: {  	s2 =	sld [smem:$0x3FAC]  }
0x29: {  	s4 =	sld [smem:$0x3FAE]  }
0x2a: {  	p0 =	seq.s32 s5, $0x0;
	s5 =	sld [smem:$0x3FAF]  }
0x2b: {  	s6 =	sld [smem:$0x3FB0]  }
0x2c: {  	s7 =	sld [smem:$0x3FB1]  }
0x2d: {  	s3 =	simm.s32 $0x108;
	s8 =	sld [smem:$0x3FB2]  }
0x2e: {  	s3 =	simm.s32 @!p0 $0x1082;
	s9 =	sld [smem:$0x3FB3]  }
0x2f: {  	lr =	sadd.s32 s0, s3;
	s0 =	sld [smem:$0x3FAA]  }
0x30: {  	s3 =	sld [smem:$0x3FAD]  }
0x31: {  	[smem:$0x3FB6] =	sst s10  }
0x32: {  	s10 =	sld [smem:$0x3FB4];
	_ =	sdelay $0x3  }
0x33: {  	p0 =	seq.s32 s10, $0x1;
	s10 =	sld [smem:$0x3FB6];
	_ =	sdelay $0x3  }
0x34: {  	[smem:$0x3FB6] =	sst s10  }
0x35: {  	s10 =	sld [smem:$0x3FB5];
	_ =	sdelay $0x3  }
0x36: {  	p1 =	seq.s32 s10, $0x1;
	s10 =	sld [smem:$0x3FB6];
	_ =	sdelay $0x3  }
0x37: {  	[smem:$0x3FB6] =	sst s10  }
0x38: {  	s10 =	sld [smem:$0x3FB7]  }
0x39: {  	_ = 	snop;
	(pc) =	sbr.ind lr, $3  }
0x3a: {  	_ = 	snop  }
0x3b: {  	_ = 	snop  }
0x3c: {  	p2 =	seq.s32 s10, $0x1;
	s10 =	sld [smem:$0x3FB6]  }
0x3d: {  	_ =	shalt  }
0x3e: {  	_ =	shalt  }
0x3f: {  	_ =	shalt  }
0x40: {  	_ =	shalt  }
0x41: {  	_ =	shalt  }
0x42: {  	_ =	shalt  }
0x43: {  	_ =	shalt  }
0x44: {  	_ =	shalt  }
0x45: {  	_ =	shalt  }
0x46: {  	_ =	shalt  }
0x47: {  	_ =	shalt  }
0x48: {  	_ =	shalt  }
0x49: {  	_ =	shalt  }
0x4a: {  	_ =	shalt  }
0x4b: {  	_ =	shalt  }
0x4c: {  	_ =	shalt  }
0x4d: {  	_ =	shalt  }
0x4e: {  	_ =	shalt  }
0x4f: {  	_ =	shalt  }
0x50: {  	_ =	shalt  }
0x51: {  	_ =	shalt  }
0x52: {  	_ =	shalt  }
0x53: {  	_ =	shalt  }
0x54: {  	_ =	shalt  }
0x55: {  	_ =	shalt  }
0x56: {  	_ =	shalt  }
0x57: {  	_ =	shalt  }
0x58: {  	_ =	shalt  }
0x59: {  	_ =	shalt  }
0x5a: {  	_ =	shalt  }
0x5b: {  	_ =	shalt  }
0x5c: {  	_ =	shalt  }
0x5d: {  	_ =	shalt  }
0x5e: {  	_ =	shalt  }
0x5f: {  	_ =	shalt  }
0x60: {  	_ =	shalt  }
0x61: {  	_ =	shalt  }
0x62: {  	_ =	shalt  }
0x63: {  	_ =	shalt  }
0x64: {  	_ =	shalt  }
0x65: {  	_ =	shalt  }
0x66: {  	_ =	shalt  }
0x67: {  	_ =	shalt  }
0x68: {  	_ =	shalt  }
0x69: {  	_ =	shalt  }
0x6a: {  	_ =	shalt  }
0x6b: {  	_ =	shalt  }
0x6c: {  	_ =	shalt  }
0x6d: {  	_ =	shalt  }
0x6e: {  	_ =	shalt  }
0x6f: {  	_ =	shalt  }
0x70: {  	_ =	shalt  }
0x71: {  	_ =	shalt  }
0x72: {  	_ =	shalt  }
0x73: {  	_ =	shalt  }
0x74: {  	_ =	shalt  }
0x75: {  	_ =	shalt  }
0x76: {  	_ =	shalt  }
0x77: {  	_ =	shalt  }
0x78: {  	_ =	shalt  }
0x79: {  	_ =	shalt  }
0x7a: {  	_ =	shalt  }
0x7b: {  	_ =	shalt  }
0x7c: {  	_ =	shalt  }
0x7d: {  	_ =	shalt  }
0x7e: {  	_ =	shalt  }
0x7f: {  	_ =	shalt  }
0x80: {  	_ =	shalt  }
0x81: {  	_ =	shalt  }
0x82: {  	_ =	shalt  }
0x83: {  	_ =	shalt  }
0x84: {  	_ =	shalt  }
0x85: {  	_ =	shalt  }
0x86: {  	_ =	shalt  }
0x87: {  	_ =	shalt  }
.Lfunc_end0:
.L_simem_size_0:
called_computation.1_lowered:
.L_overlay_start_0:
0x88: {  	s2 =	sld [smem:$0x3FD9]  }
0x89: {  	s3 =	sld [smem:$0x3FFE];
	_ =	sdelay $0x1  }
0x8a: {  	s1 =	srdreg.scid  }
0x8b: {  	s0 =	sand.u32 $0x1, s1  }
0x8c: {  	s17 =	sshll.u32 s0, $0xA;
	s2 =	sadd.s32 s3, s2  }
0x8d: {  	s2 =	sadd.s32 s2, s17  }
0x8e: {  	[smem:$0x3FC2] =	sst s2  }
0x8f: {  	_ = 	snop  }
0x90: {  	s2 =	sld [smem:$0x3FD0];
	(tm) =	ssettm $0x1  }
0x91: {  	s18 =	sld [smem:$0x3FFB];
	_ =	sdelay $0x3  }
0x92: {  	_ =	strace s18  }
0x93: {  	s3 =	sld [smem:$0x3FFC];
	_ =	sdelay $0x3  }
0x94: {  	_ =	strace s3  }
0x95: {  	s3 =	sld [smem:$0x3FFD];
	_ =	sdelay $0x3  }
0x96: {  	_ =	strace s3  }
0x97: {  	_ =	strace $0x8FFFFFFF  }
0x98: {  	s19 =	sld [smem:$0x3FDB];
	_ =	sdelay $0x1  }
0x99: {  	s4 =	simm.s32 $_scs_section_size  }
0x9a: {  	s5 =	simm.s32 $_size__tile_overlayer_lowered;
	s6 =	simm.s32 $_tile_overlayer_lowered  }
0x9b: {  	s22 =	simm.s32 $0x1BFF;
	s21 =	sshll.u32 s6, $0x1;
	s3 =	sadd.s32 s4, s19  }
0x9c: {  	s7 =	simm.s32 $0x0;
	s20 =	sshll.u32 s5, $0x1;
	s5 =	sadd.s32 s21, s3  }
0x9d: {  	[timem:s7], [sflag:s22] =	dma.local [hbm:s5], s20  }
0x9e: {  	_ =	swait.ge [sflag:s22], s20  }
0x9f: {  	s4 =	ssub.s32 $0x0, s20;
	[sflag:s22] =	ssyncset.done $0x0  }
0xa0: {  	[sflag:s22] =	ssyncadd.s32 s4;
	_ =	sdelay $0x1  }
0xa1: {  	s23 =	simm.s32 $0x1B8B  }
0xa2: {  	_ =	swait.ge [sflag:s23], $0x1  }
0xa3: {  	[sflag:s23] =	ssyncset.done $0x0  }
0xa4: {  	s25 =	simm.s32 $0x1B8E;
	s24 =	sld [smem:$0x3FFE];
	[sflag:s23] =	ssyncadd.s32 $0xFFFFFFFF  }
0xa5: {  	s26 =	simm.s32 $execute0_lowered;
	[smem:$0x3FD2] =	sst s25  }
0xa6: {  	s5 =	sshll.u32 s26, $0x1;
	_ =	strace $0x80000049;
	[dreg:$0x1] =	wrdreg $0xFFFFFFFF  }
0xa7: {  	s28 =	simm.s32 $_size_execute0_lowered;
	s3 =	sadd.s32 s3, s5;
	[dreg:$0x0] =	wrdreg $0x0  }
0xa8: {  	s5 =	sshll.u32 s28, $0x1;
	[dreg:$0x2] =	wrdreg s3  }
0xa9: {  	[dreg:$0x3] =	wrdreg s5  }
0xaa: {  	[dreg:$0x4] =	wrdreg $0xC0  }
0xab: {  	_ =	task [dreg:s7], $0x5FFFF  }
0xac: {  	[dreg:$0x1] =	wrdreg $0xFFFFFFFF  }
0xad: {  	[dreg:$0x0] =	wrdreg $0x60  }
0xae: {  	[dreg:$0x2] =	wrdreg s2  }
0xaf: {  	[dreg:$0x3] =	wrdreg s24  }
0xb0: {  	[dreg:$0x4] =	wrdreg $0x8F800  }
0xb1: {  	[dreg:$0x5] =	wrdreg $0x9  }
0xb2: {  	_ =	task.clear_ibuf [dreg:s7], $0x6FFFF;
	_ =	strace $0x90000049  }
0xb3: {  	s29 =	simm.s32 $0x9;
	_ =	strace $0x8000004B  }
0xb4: {  	_ =	swait.ge [sflag:s29], $0x1  }
0xb5: {  	[sflag:s29] =	ssyncadd.s32 $0xFFFFFFFF  }
0xb6: {  	_ =	strace $0x9000004B  }
0xb7: {  	_ =	sfence  }
0xb8: {  	s30 =	sld [smem:$0x0];
	_ =	sdelay $0x2  }
0xb9: {  	s31 =	sshll.u32 s1, $0xD;
	s1 =	sshrl.u32 s1, $0x2  }
0xba: {  	s3 =	sand.u32 $0x4000, s31;
	s1 =	sadd.s32 s1, s30  }
0xbb: {  	s0 =	sor.u32 s3, s0;
	s1 =	sshll.u32 s1, $0x11  }
0xbc: {  	s0 =	sor.u32 s1, s0  }
0xbd: {  	s0 =	sadd.s32 $0x8F2B, s0  }
0xbe: {  	[sflag:s0] =	ssyncadd.remote.s32 $0x1  }
0xbf: {  	_ =	sfence.sel $0xFFFF  }
0xc0: {  	[dreg:$0x0] =	wrdreg $0xFFFFFFFF;
	(pc) =	sbr.abs _section_cstart, $3  }
0xc1: {  	[dreg:$0x1] =	wrdreg $0xFFFFFFFF  }
0xc2: {  	_ =	task.clear_ibuf [dreg:s7], $0x2FFFF;
	_ =	strace $0x9FFFFFFF  }
0xc3: {  	(tm) =	ssettm $0x7FFFFFFF  }
tec
execute0_lowered:
.L_overlay_start_1:
0x0: {  	(tag) =	ssettag $0x1  }
0x1: {  	s1 =	rddreg [dreg:$0x0]  }
0x2: {  	s2 =	srdreg.scid;
	s8 =	rddreg [dreg:$0x1]  }
0x3: {  	s0 =	stileid.u32;
	s3 =	rddreg [dreg:$0x2];
	s4 =	simm.s32 $0x0  }
0x4: {  	s17 =	simm.s32 $0x50;
	s18 =	simm.s32 $0x3F80;
	s19 =	simm.s32 $0x3F00  }
0x5: {  	s20 =	simm.s32 $0x6780;
	s21 =	simm.s32 $0x1;
	s11 =	smul.u32 $0x13C00, s0  }
0x6: {  	s22 =	simm.s32 $0x2;
	s7 =	sand.u32 $0x1, s2;
	s24 =	smul.u32 $0x4F000, s0  }
0x7: {  	s23 =	sshll.u32 s0, $0x1;
	[smem:$0x7FF] =	sst s4;
	s14 =	smul.u32 $0x7D00, s0  }
0x8: {  	s6 =	sadd.s32 $0x21C00, s8;
	s29 =	sshll.u32 s0, $0x6;
	s9 =	smul.u32 $0x13C000, s7  }
0x9: {  	s2 =	sor.u32 s7, s23;
	s13 =	ssub.s32 $0x2, s7;
	s26 =	smul.u32 $0x3E80, s7  }
0xa: {  	s7 =	sor.u32 $0x1C03, s29;
	s23 =	simm.s32 $0x0;
	s5 =	smul.u32 $0x3E80, s2  }
0xb: {  	s2 =	rddreg [dreg:$0x3];
	_ =	strace $0x8000004A;
	s25 =	sshrl.u32 s13, $0x1  }
0xc: {  	s28 =	sshrl.u32 s24, $0x2;
	s9 =	sadd.s32 s11, s9;
	s13 =	ssub.s32 s13, s25  }
0xd: {  	s16 =	sadd.s32 s28, s3;
	s14 =	sadd.s32 s26, s14;
	s10 =	sshrl.u32 s5, $0x3  }
0xe: {  	s5 =	sadd.s32 $0x2400, s8;
	s9 =	sshrl.u32 s9, $0x3;
	s30 =	sadd.s32 $0x80, s14  }
0xf: {  	s11 =	smax.u32 s13, $0x1;
	s12 =	sadd.s32 s10, s8;
	s15 =	sadd.s32 s9, s8  }
0x10: {  	s9 =	sadd.s32 s5, s10;
	s31 =	sshrl.u32 s30, $0x3;
	s8 =	sadd.s32 $0x12200, s12  }
0x11: {  	s10 =	sadd.s32 $0x24400, s15;
	s12 =	sadd.s32 $0x100, s14;
	s13 =	sadd.s32 s31, s5  }
0x12: {  	s14 =	sshrl.u32 s16, $0x3;
	s15 =	simm.s32 $0x3;
	s16 =	simm.s32 $0x3E80  }
.LBB2_1:
0x13: {  	[spmem:s14], [sflag:s7] =	dma.local [hbm:s6], $0x2780  }
0x14: {  	_ =	swait.ge [sflag:s15], $0x2780  }
0x15: {  	[sflag:s15] =	ssyncset.done $0x0  }
0x16: {  	[sflag:s15] =	ssyncadd.s32 $0xFFFFD880  }
0x17: {  	[tilespmem:s4], [sflag:$0x3] =	stream.linear.gather [hbm4b:s8+s4], $0x3E80, $0x38;
	[tilespmem:$0x1CB80] =	vst v63  }
0x18: {  	_ =	swait.ge [sflag:s15], $0x3E80  }
0x19: {  	[sflag:s15] =	ssyncset.done $0x0  }
0x1a: {  	[sflag:s15] =	ssyncadd.s32 $0xFFFFC180  }
0x1b: {  	[bflag:$0x0] =	sbarrier.arrive $0xFFFF  }
0x1c: {  	[tilespmem:s16], [sflag:$0x1] =	stream.linear.gather [hbm4b:s9+s4], $0x80, $0x38;
	[tilespmem:$0x1CB80] =	vst v63  }
0x1d: {  	_ = 	snop  }
0x1e: {  	[tilespmem:s18], [sflag:$0x1] =	stream.indirect.gather [hbm4b:s1+s17], $0x80, s4, s17, $0xb8;
	[tilespmem:$0x1CB80] =	vst v63  }
0x1f: {  	s24 =	sadd.s32 $0x0, s13  }
0x20: {  	[tilespmem:s19], [sflag:$0x2] =	stream.linear.gather [hbm4b:s24+s4], $0x80, $0x38;
	[tilespmem:$0x1CB80] =	vst v63  }
0x21: {  	s29 =	simm.s32 $0x80  }
0x22: {  	[tilespmem:s20], [sflag:$0x2] =	stream.indirect.gather [hbm4b:s1+s17], $0x80, s29, s17, $0xb8;
	[tilespmem:$0x1CB80] =	vst v63  }
0x23: {  	_ =	swait.ge [sflag:s21], $0x80  }
0x24: {  	[sflag:s21] =	ssyncset.done $0x0  }
0x25: {  	[sflag:s21] =	ssyncadd.s32 $0xFFFFFF80  }
0x26: {  	_ =	swait.ge [sflag:s21], $0x2800  }
0x27: {  	[sflag:s21] =	ssyncset.done $0x0  }
0x28: {  	[sflag:s21] =	ssyncadd.s32 $0xFFFFD800  }
0x29: {  	[spmem:s3] =	stream.indirect.scatter.add.f32 [tilespmem:s18], [sflag:$0x3], $0x80, s16, s17, $0xb8;
	[tilespmem:$0x1CB80] =	vst v63  }
0x2a: {  	_ =	swait.ge [sflag:s15], $0x2800  }
0x2b: {  	s30 =	sshrl.u32 s12, $0x3;
	[sflag:s15] =	ssyncset.done $0x0  }
0x2c: {  	s24 =	sadd.s32 s5, s30;
	[sflag:s15] =	ssyncadd.s32 $0xFFFFD800  }
0x2d: {  	[tilespmem:s16], [sflag:$0x1] =	stream.linear.gather [hbm4b:s24+s4], $0x80, $0x38;
	[tilespmem:$0x1CB80] =	vst v63  }
0x2e: {  	s31 =	simm.s32 $0x100  }
0x2f: {  	[tilespmem:s18], [sflag:$0x1] =	stream.indirect.gather [hbm4b:s1+s17], $0x80, s31, s17, $0xb8;
	[tilespmem:$0x1CB80] =	vst v63  }
0x30: {  	_ =	swait.ge [sflag:s22], $0x80  }
0x31: {  	[sflag:s22] =	ssyncset.done $0x0  }
0x32: {  	[sflag:s22] =	ssyncadd.s32 $0xFFFFFF80  }
0x33: {  	_ =	swait.ge [sflag:s22], $0x2800  }
0x34: {  	[sflag:s22] =	ssyncset.done $0x0  }
0x35: {  	[sflag:s22] =	ssyncadd.s32 $0xFFFFD800  }
0x36: {  	[spmem:s3] =	stream.indirect.scatter.add.f32 [tilespmem:s20], [sflag:$0x3], $0x80, s19, s17, $0xb8;
	[tilespmem:$0x1CB80] =	vst v63  }
0x37: {  	s26 =	simm.s32 $0x20;
	s28 =	simm.s32 $0x40;
	_ =	swait.ge [sflag:s15], $0x2800  }
0x38: {  	s25 =	sadd.s32 $0x100, s12;
	s24 =	simm.s32 $0x200;
	[sflag:s15] =	ssyncset.done $0x0  }
.LBB2_2:
0x39: {  	s29 =	sadd.s32 s26, s13  }
0x3a: {  	[sflag:s15] =	ssyncadd.s32 $0xFFFFD800;
	s26 =	smov.u32 s28;
	s30 =	sadd.s32 $0x20, s28  }
0x3b: {  	[tilespmem:s19], [sflag:$0x2] =	stream.linear.gather [hbm4b:s29+s4], $0x80, $0x38;
	[tilespmem:$0x1CB80] =	vst v63  }
0x3c: {  	p0 =	sne.s32 s28, $0x7A0;
	s28 =	sadd.s32 $0xFFFFFF80, s24  }
0x3d: {  	[tilespmem:s20], [sflag:$0x2] =	stream.indirect.gather [hbm4b:s1+s17], $0x80, s28, s17, $0xb8;
	[tilespmem:$0x1CB80] =	vst v63  }
0x3e: {  	_ =	swait.ge [sflag:s21], $0x80  }
0x3f: {  	[sflag:s21] =	ssyncset.done $0x0  }
0x40: {  	[sflag:s21] =	ssyncadd.s32 $0xFFFFFF80  }
0x41: {  	_ =	swait.ge [sflag:s21], $0x2800  }
0x42: {  	[sflag:s21] =	ssyncset.done $0x0  }
0x43: {  	[sflag:s21] =	ssyncadd.s32 $0xFFFFD800  }
0x44: {  	[spmem:s3] =	stream.indirect.scatter.add.f32 [tilespmem:s18], [sflag:$0x3], $0x80, s16, s17, $0xb8;
	[tilespmem:$0x1CB80] =	vst v63  }
0x45: {  	_ =	swait.ge [sflag:s15], $0x2800  }
0x46: {  	s28 =	sshrl.u32 s25, $0x3;
	[sflag:s15] =	ssyncset.done $0x0  }
0x47: {  	s28 =	sadd.s32 s5, s28;
	[sflag:s15] =	ssyncadd.s32 $0xFFFFD800  }
0x48: {  	[tilespmem:s16], [sflag:$0x1] =	stream.linear.gather [hbm4b:s28+s4], $0x80, $0x38;
	[tilespmem:$0x1CB80] =	vst v63  }
0x49: {  	_ = 	snop  }
0x4a: {  	[tilespmem:s18], [sflag:$0x1] =	stream.indirect.gather [hbm4b:s1+s17], $0x80, s24, s17, $0xb8;
	[tilespmem:$0x1CB80] =	vst v63  }
0x4b: {  	_ =	swait.ge [sflag:s22], $0x80  }
0x4c: {  	[sflag:s22] =	ssyncset.done $0x0  }
0x4d: {  	[sflag:s22] =	ssyncadd.s32 $0xFFFFFF80  }
0x4e: {  	_ =	swait.ge [sflag:s22], $0x2800  }
.Ltmp0:
0x4f: {  	[sflag:s22] =	ssyncset.done $0x0;
	(pc) =	sbr.rel @p0 .LBB2_2-.Ltmp0, $4  }
0x50: {  	[sflag:s22] =	ssyncadd.s32 $0xFFFFD800  }
0x51: {  	[spmem:s3] =	stream.indirect.scatter.add.f32 [tilespmem:s20], [sflag:$0x3], $0x80, s19, s17, $0xb8;
	[tilespmem:$0x1CB80] =	vst v63  }
0x52: {  	s25 =	sadd.s32 $0x100, s25;
	_ =	swait.ge [sflag:s15], $0x2800  }
0x53: {  	s28 =	smov.u32 s30;
	s24 =	sadd.s32 $0x100, s24;
	[sflag:s15] =	ssyncset.done $0x0  }
0x54: {  	s26 =	sadd.s32 s26, s13;
	[sflag:s15] =	ssyncadd.s32 $0xFFFFD800  }
0x55: {  	[tilespmem:s19], [sflag:$0x2] =	stream.linear.gather [hbm4b:s26+s4], $0x80, $0x38;
	[tilespmem:$0x1CB80] =	vst v63  }
0x56: {  	s31 =	sadd.s32 $0xFFFFFF80, s24  }
0x57: {  	[tilespmem:s20], [sflag:$0x2] =	stream.indirect.gather [hbm4b:s1+s17], $0x80, s31, s17, $0xb8;
	[tilespmem:$0x1CB80] =	vst v63  }
0x58: {  	_ =	swait.ge [sflag:s21], $0x80  }
0x59: {  	[sflag:s21] =	ssyncset.done $0x0  }
0x5a: {  	[sflag:s21] =	ssyncadd.s32 $0xFFFFFF80  }
0x5b: {  	_ =	swait.ge [sflag:s21], $0x2800  }
0x5c: {  	[sflag:s21] =	ssyncset.done $0x0  }
0x5d: {  	[sflag:s21] =	ssyncadd.s32 $0xFFFFD800  }
0x5e: {  	[spmem:s3] =	stream.indirect.scatter.add.f32 [tilespmem:s18], [sflag:$0x3], $0x80, s16, s17, $0xb8;
	[tilespmem:$0x1CB80] =	vst v63  }
0x5f: {  	_ =	swait.ge [sflag:s15], $0x2800  }
0x60: {  	s25 =	sshrl.u32 s25, $0x3;
	[sflag:s15] =	ssyncset.done $0x0  }
0x61: {  	s25 =	sadd.s32 s5, s25;
	[sflag:s15] =	ssyncadd.s32 $0xFFFFD800  }
0x62: {  	[tilespmem:s16], [sflag:$0x1] =	stream.linear.gather [hbm4b:s25+s4], $0x80, $0x38;
	[tilespmem:$0x1CB80] =	vst v63  }
0x63: {  	_ = 	snop  }
0x64: {  	[tilespmem:s18], [sflag:$0x1] =	stream.indirect.gather [hbm4b:s1+s17], $0x80, s24, s17, $0xb8;
	[tilespmem:$0x1CB80] =	vst v63  }
0x65: {  	_ =	swait.ge [sflag:s22], $0x80  }
0x66: {  	[sflag:s22] =	ssyncset.done $0x0  }
0x67: {  	[sflag:s22] =	ssyncadd.s32 $0xFFFFFF80  }
0x68: {  	_ =	swait.ge [sflag:s22], $0x2800  }
0x69: {  	[sflag:s22] =	ssyncset.done $0x0  }
0x6a: {  	[sflag:s22] =	ssyncadd.s32 $0xFFFFD800  }
0x6b: {  	[spmem:s3] =	stream.indirect.scatter.add.f32 [tilespmem:s20], [sflag:$0x3], $0x80, s19, s17, $0xb8;
	[tilespmem:$0x1CB80] =	vst v63  }
0x6c: {  	_ =	swait.ge [sflag:s15], $0x2800  }
0x6d: {  	[sflag:s15] =	ssyncset.done $0x0  }
0x6e: {  	[sflag:s15] =	ssyncadd.s32 $0xFFFFD800  }
0x6f: {  	_ =	swait.ge [sflag:s21], $0x80  }
0x70: {  	[sflag:s21] =	ssyncset.done $0x0  }
0x71: {  	[sflag:s21] =	ssyncadd.s32 $0xFFFFFF80  }
0x72: {  	_ =	swait.ge [sflag:s21], $0x2800  }
0x73: {  	[sflag:s21] =	ssyncset.done $0x0  }
0x74: {  	[sflag:s21] =	ssyncadd.s32 $0xFFFFD800  }
0x75: {  	[spmem:s3] =	stream.indirect.scatter.add.f32 [tilespmem:s18], [sflag:$0x3], $0x80, s16, s17, $0xb8;
	[tilespmem:$0x1CB80] =	vst v63  }
0x76: {  	_ =	swait.ge [sflag:s15], $0x2800  }
0x77: {  	s23 =	sadd.s32 $0x1, s23;
	[sflag:s15] =	ssyncset.done $0x0  }
0x78: {  	p0 =	sne.s32 s23, s11;
	[sflag:s15] =	ssyncadd.s32 $0xFFFFD800  }
.Ltmp1:
0x79: {  	[bflag:$0x0] =	sbarrier.arrive $0xFFFF;
	(pc) =	sbr.rel @p0 .LBB2_1-.Ltmp1, $4  }
0x7a: {  	[hbm:s10], [sflag:s7] =	dma.local [spmem:s14], $0x2780  }
0x7b: {  	_ =	swait.ge [sflag:s15], $0x2780  }
0x7c: {  	[sflag:s15] =	ssyncset.done $0x0  }
0x7d: {  	[sflag:s15] =	ssyncadd.s32 $0xFFFFD880  }
0x7e: {  	_ =	sfence.sel $0x180000  }
0x7f: {  	[bflag:$0x0] =	sbarrier.arrive $0xFFFF  }
0x80: {  	p0 =	sne.s32 s0, $0x0;
	_ =	strace $0x9000004A  }
0x81: {  	s0 =	sadd.s32 @!p0 $0x100000, s2;
	[bflag:$0x2] =	sbarrier.arrive $0xFFFF  }
0x82: {  	[sflag:s0] =	ssyncadd.tile.s32 @!p0 $0x1;
	_ =	shalt  }
.Lfunc_end2:
_tile_overlayer_lowered:
.L_overlay_start_2:
0x83: {  	(tag) =	ssettag $0x2  }
0x84: {  	s0 =	rddreg [dreg:$0x0];
	s2 =	stileid.u32  }
0x85: {  	s1 =	rddreg [dreg:$0x1];
	p0 =	sne.s32 s2, $0x0  }
0x86: {  	s3 =	rddreg [dreg:$0x2];
	[bflag:$0x3] =	sbarrier.arrive $0xFFFF;
	s2 =	simm.s32 @!p0 $0x1C03  }
0x87: {  	[timem:s3], [sflag:s2] =	dma.local @!p0 [hbm:s0], s1  }
0x88: {  	s0 =	simm.s32 @!p0 $0x3  }
0x89: {  	_ =	swait.ge @!p0 [sflag:s0], s1  }
0x8a: {  	s1 =	ssub.s32 @!p0 $0x0, s1;
	[sflag:s0] =	ssyncset.done @!p0 $0x0  }
0x8b: {  	[sflag:s0] =	ssyncadd.s32 @!p0 s1  }
0x8c: {  	[bflag:$0x3] =	sbarrier.arrive $0xFFFF  }
0x8d: {  	_ =	shalt  }

// kernel: kernel.14.cloned.1.call-start
scs
__scs_entry_jumppad:
0x0: {  	(pc) =	sbr.rel $0x88, $3  }
0x1: {  	(tag) =	ssettag $0x0;
	lr =	simm.s32 $0x1  }
0x2: {  	[smem:$0x3F9B] =	sst lr;
	_ =	strace $0xD0000000  }
0x3: {  	_ = 	snop  }
0x4: {  	_ = 	snop  }
0x5: {  	_ = 	snop  }
0x6: {  	_ = 	snop  }
0x7: {  	_ = 	snop  }
__scs_overlays_trampoline_lowered:
0x8: {  	[smem:$0x3FAA] =	sst s0  }
0x9: {  	[smem:$0x3FAB] =	sst s1  }
0xa: {  	[smem:$0x3FAC] =	sst s2  }
0xb: {  	[smem:$0x3FAD] =	sst s3  }
0xc: {  	[smem:$0x3FAE] =	sst s4  }
0xd: {  	[smem:$0x3FAF] =	sst s5  }
0xe: {  	[smem:$0x3FB0] =	sst s6  }
0xf: {  	[smem:$0x3FB1] =	sst s7  }
0x10: {  	[smem:$0x3FB2] =	sst s8  }
0x11: {  	[smem:$0x3FB3] =	sst s9;
	s0 =	simm.s32 @!p0 $0x0  }
0x12: {  	s1 =	sld [smem:$0x3F99];
	s0 =	simm.s32 @p0 $0x1  }
0x13: {  	[smem:$0x3FB4] =	sst s0;
	s0 =	simm.s32 @!p1 $0x0  }
0x14: {  	s2 =	sld [smem:$0x3F98];
	s0 =	simm.s32 @p1 $0x1  }
0x15: {  	[smem:$0x3FB5] =	sst s0;
	s0 =	simm.s32 @!p2 $0x0  }
0x16: {  	s3 =	sld [smem:$0x3FDB];
	s0 =	simm.s32 @p2 $0x1  }
0x17: {  	s4 =	simm.s32 $0x1BF5;
	[smem:$0x3FB7] =	sst s0  }
0x18: {  	s0 =	sld [smem:$0x3F9A];
	_ =	swait.ge [sflag:s4], $0x0  }
0x19: {  	s7 =	sld [smem:$0x3F9B]  }
0x1a: {  	s8 =	sadd.s32 $0xFFFFE003, lr  }
0x1b: {  	s9 =	sadd.s32 $0xFFFFFEF7, lr;
	s5 =	simm.s32 $0xFFFFFFFF;
	p2 =	slt.u32 s8, $0xFFFFF086  }
0x1c: {  	p1 =	slt.u32 s9, $0xF7A;
	s5 =	simm.s32 @!p2 $0x0  }
0x1d: {  	s5 =	simm.s32 @p1 $0x1;
	p0 =	seq.s32 s7, s2  }
0x1e: {  	s7 =	smul.u32 @!p0 $0xF7A, s2;
	p2 =	seq.s32 @!p0 s5, $0x0  }
0x1f: {  	s9 =	smul.u32 $0xF7A, s1;
	s8 =	simm.s32 @!p0 $0x1BF5;
	p2 =	por !p2, p0  }
0x20: {  	[sflag:s8] =	ssyncset.s32 @!p0 $0xFFFFF086;
	s6 =	sadd.s32 @!p0 s3, s7;
	s7 =	simm.s32 @!p0 $0x108  }
0x21: {  	s3 =	sadd.s32 s3, s9;
	s6 =	sadd.s32 @!p0 $0x88, s6;
	s7 =	simm.s32 @p2 $0x1082  }
0x22: {  	[simem:s7], [sflag:s8] =	dma.local @!p0 [hbm:s6], $0xF7A  }
0x23: {  	s9 =	sor.u32 $0xD0000000, s2;
	s6 =	simm.s32 $0x108;
	_ =	swait.ge @!p0 [sflag:s8], $0x0  }
0x24: {  	s3 =	sadd.s32 $0x88, s3;
	s6 =	simm.s32 @!p1 $0x1082;
	[sflag:s4] =	ssyncset.s32 $0xFFFFF086  }
0x25: {  	[simem:s6], [sflag:s4] =	dma.local [hbm:s3], $0xF7A  }
0x26: {  	[smem:$0x3F9B] =	sst s1;
	(tag) =	ssettag s2;
	_ =	strace s9  }
0x27: {  	s1 =	sld [smem:$0x3FAB]  }
0x28: {  	s2 =	sld [smem:$0x3FAC]  }
0x29: {  	s4 =	sld [smem:$0x3FAE]  }
0x2a: {  	p0 =	seq.s32 s5, $0x0;
	s5 =	sld [smem:$0x3FAF]  }
0x2b: {  	s6 =	sld [smem:$0x3FB0]  }
0x2c: {  	s7 =	sld [smem:$0x3FB1]  }
0x2d: {  	s3 =	simm.s32 $0x108;
	s8 =	sld [smem:$0x3FB2]  }
0x2e: {  	s3 =	simm.s32 @!p0 $0x1082;
	s9 =	sld [smem:$0x3FB3]  }
0x2f: {  	lr =	sadd.s32 s0, s3;
	s0 =	sld [smem:$0x3FAA]  }
0x30: {  	s3 =	sld [smem:$0x3FAD]  }
0x31: {  	[smem:$0x3FB6] =	sst s10  }
0x32: {  	s10 =	sld [smem:$0x3FB4];
	_ =	sdelay $0x3  }
0x33: {  	p0 =	seq.s32 s10, $0x1;
	s10 =	sld [smem:$0x3FB6];
	_ =	sdelay $0x3  }
0x34: {  	[smem:$0x3FB6] =	sst s10  }
0x35: {  	s10 =	sld [smem:$0x3FB5];
	_ =	sdelay $0x3  }
0x36: {  	p1 =	seq.s32 s10, $0x1;
	s10 =	sld [smem:$0x3FB6];
	_ =	sdelay $0x3  }
0x37: {  	[smem:$0x3FB6] =	sst s10  }
0x38: {  	s10 =	sld [smem:$0x3FB7]  }
0x39: {  	_ = 	snop;
	(pc) =	sbr.ind lr, $3  }
0x3a: {  	_ = 	snop  }
0x3b: {  	_ = 	snop  }
0x3c: {  	p2 =	seq.s32 s10, $0x1;
	s10 =	sld [smem:$0x3FB6]  }
0x3d: {  	_ =	shalt  }
0x3e: {  	_ =	shalt  }
0x3f: {  	_ =	shalt  }
0x40: {  	_ =	shalt  }
0x41: {  	_ =	shalt  }
0x42: {  	_ =	shalt  }
0x43: {  	_ =	shalt  }
0x44: {  	_ =	shalt  }
0x45: {  	_ =	shalt  }
0x46: {  	_ =	shalt  }
0x47: {  	_ =	shalt  }
0x48: {  	_ =	shalt  }
0x49: {  	_ =	shalt  }
0x4a: {  	_ =	shalt  }
0x4b: {  	_ =	shalt  }
0x4c: {  	_ =	shalt  }
0x4d: {  	_ =	shalt  }
0x4e: {  	_ =	shalt  }
0x4f: {  	_ =	shalt  }
0x50: {  	_ =	shalt  }
0x51: {  	_ =	shalt  }
0x52: {  	_ =	shalt  }
0x53: {  	_ =	shalt  }
0x54: {  	_ =	shalt  }
0x55: {  	_ =	shalt  }
0x56: {  	_ =	shalt  }
0x57: {  	_ =	shalt  }
0x58: {  	_ =	shalt  }
0x59: {  	_ =	shalt  }
0x5a: {  	_ =	shalt  }
0x5b: {  	_ =	shalt  }
0x5c: {  	_ =	shalt  }
0x5d: {  	_ =	shalt  }
0x5e: {  	_ =	shalt  }
0x5f: {  	_ =	shalt  }
0x60: {  	_ =	shalt  }
0x61: {  	_ =	shalt  }
0x62: {  	_ =	shalt  }
0x63: {  	_ =	shalt  }
0x64: {  	_ =	shalt  }
0x65: {  	_ =	shalt  }
0x66: {  	_ =	shalt  }
0x67: {  	_ =	shalt  }
0x68: {  	_ =	shalt  }
0x69: {  	_ =	shalt  }
0x6a: {  	_ =	shalt  }
0x6b: {  	_ =	shalt  }
0x6c: {  	_ =	shalt  }
0x6d: {  	_ =	shalt  }
0x6e: {  	_ =	shalt  }
0x6f: {  	_ =	shalt  }
0x70: {  	_ =	shalt  }
0x71: {  	_ =	shalt  }
0x72: {  	_ =	shalt  }
0x73: {  	_ =	shalt  }
0x74: {  	_ =	shalt  }
0x75: {  	_ =	shalt  }
0x76: {  	_ =	shalt  }
0x77: {  	_ =	shalt  }
0x78: {  	_ =	shalt  }
0x79: {  	_ =	shalt  }
0x7a: {  	_ =	shalt  }
0x7b: {  	_ =	shalt  }
0x7c: {  	_ =	shalt  }
0x7d: {  	_ =	shalt  }
0x7e: {  	_ =	shalt  }
0x7f: {  	_ =	shalt  }
0x80: {  	_ =	shalt  }
0x81: {  	_ =	shalt  }
0x82: {  	_ =	shalt  }
0x83: {  	_ =	shalt  }
0x84: {  	_ =	shalt  }
0x85: {  	_ =	shalt  }
0x86: {  	_ =	shalt  }
0x87: {  	_ =	shalt  }
.Lfunc_end0:
.L_simem_size_0:
called_computation.2_lowered:
.L_overlay_start_0:
0x88: {  	s2 =	sld [smem:$0x3FD9]  }
0x89: {  	s3 =	sld [smem:$0x3FFE];
	_ =	sdelay $0x1  }
0x8a: {  	s1 =	srdreg.scid  }
0x8b: {  	s0 =	sand.u32 $0x1, s1  }
0x8c: {  	s17 =	sshll.u32 s0, $0xA;
	s2 =	sadd.s32 s3, s2  }
0x8d: {  	s2 =	sadd.s32 s2, s17  }
0x8e: {  	[smem:$0x3FC2] =	sst s2  }
0x8f: {  	_ = 	snop  }
0x90: {  	s2 =	sld [smem:$0x3FD0];
	(tm) =	ssettm $0x1  }
0x91: {  	s18 =	sld [smem:$0x3FFB];
	_ =	sdelay $0x3  }
0x92: {  	_ =	strace s18  }
0x93: {  	s3 =	sld [smem:$0x3FFC];
	_ =	sdelay $0x3  }
0x94: {  	_ =	strace s3  }
0x95: {  	s3 =	sld [smem:$0x3FFD];
	_ =	sdelay $0x3  }
0x96: {  	_ =	strace s3  }
0x97: {  	_ =	strace $0x8FFFFFFF  }
0x98: {  	s19 =	sld [smem:$0x3FDB];
	_ =	sdelay $0x1  }
0x99: {  	s4 =	simm.s32 $_scs_section_size  }
0x9a: {  	s5 =	simm.s32 $_size__tile_overlayer_lowered;
	s6 =	simm.s32 $_tile_overlayer_lowered  }
0x9b: {  	s22 =	simm.s32 $0x1BFF;
	s21 =	sshll.u32 s6, $0x1;
	s3 =	sadd.s32 s4, s19  }
0x9c: {  	s7 =	simm.s32 $0x0;
	s20 =	sshll.u32 s5, $0x1;
	s5 =	sadd.s32 s21, s3  }
0x9d: {  	[timem:s7], [sflag:s22] =	dma.local [hbm:s5], s20  }
0x9e: {  	_ =	swait.ge [sflag:s22], s20  }
0x9f: {  	s4 =	ssub.s32 $0x0, s20;
	[sflag:s22] =	ssyncset.done $0x0  }
0xa0: {  	[sflag:s22] =	ssyncadd.s32 s4;
	_ =	sdelay $0x1  }
0xa1: {  	s23 =	simm.s32 $0x1B8B  }
0xa2: {  	_ =	swait.ge [sflag:s23], $0x1  }
0xa3: {  	[sflag:s23] =	ssyncset.done $0x0  }
0xa4: {  	s25 =	simm.s32 $0x1B8E;
	s24 =	sld [smem:$0x3FFE];
	[sflag:s23] =	ssyncadd.s32 $0xFFFFFFFF  }
0xa5: {  	s26 =	simm.s32 $execute0_lowered;
	[smem:$0x3FD2] =	sst s25  }
0xa6: {  	s5 =	sshll.u32 s26, $0x1;
	_ =	strace $0x8000004C;
	[dreg:$0x1] =	wrdreg $0xFFFFFFFF  }
0xa7: {  	s28 =	simm.s32 $_size_execute0_lowered;
	s3 =	sadd.s32 s3, s5;
	[dreg:$0x0] =	wrdreg $0x0  }
0xa8: {  	s5 =	sshll.u32 s28, $0x1;
	[dreg:$0x2] =	wrdreg s3  }
0xa9: {  	[dreg:$0x3] =	wrdreg s5  }
0xaa: {  	[dreg:$0x4] =	wrdreg $0xC0  }
0xab: {  	_ =	task [dreg:s7], $0x5FFFF  }
0xac: {  	[dreg:$0x1] =	wrdreg $0xFFFFFFFF  }
0xad: {  	[dreg:$0x0] =	wrdreg $0x60  }
0xae: {  	[dreg:$0x2] =	wrdreg s2  }
0xaf: {  	[dreg:$0x3] =	wrdreg s24  }
0xb0: {  	[dreg:$0x4] =	wrdreg $0x8F800  }
0xb1: {  	[dreg:$0x5] =	wrdreg $0x9  }
0xb2: {  	_ =	task.clear_ibuf [dreg:s7], $0x6FFFF;
	_ =	strace $0x9000004C  }
0xb3: {  	s29 =	simm.s32 $0x9;
	_ =	strace $0x8000004E  }
0xb4: {  	_ =	swait.ge [sflag:s29], $0x1  }
0xb5: {  	[sflag:s29] =	ssyncadd.s32 $0xFFFFFFFF  }
0xb6: {  	_ =	strace $0x9000004E  }
0xb7: {  	_ =	sfence  }
0xb8: {  	s30 =	sld [smem:$0x0];
	_ =	sdelay $0x2  }
0xb9: {  	s31 =	sshll.u32 s1, $0xD;
	s1 =	sshrl.u32 s1, $0x2  }
0xba: {  	s3 =	sand.u32 $0x4000, s31;
	s1 =	sadd.s32 s1, s30  }
0xbb: {  	s0 =	sor.u32 s3, s0;
	s1 =	sshll.u32 s1, $0x11  }
0xbc: {  	s0 =	sor.u32 s1, s0  }
0xbd: {  	s0 =	sadd.s32 $0x8F2B, s0  }
0xbe: {  	[sflag:s0] =	ssyncadd.remote.s32 $0x1  }
0xbf: {  	_ =	sfence.sel $0xFFFF  }
0xc0: {  	[dreg:$0x0] =	wrdreg $0xFFFFFFFF;
	(pc) =	sbr.abs _section_cstart, $3  }
0xc1: {  	[dreg:$0x1] =	wrdreg $0xFFFFFFFF  }
0xc2: {  	_ =	task.clear_ibuf [dreg:s7], $0x2FFFF;
	_ =	strace $0x9FFFFFFF  }
0xc3: {  	(tm) =	ssettm $0x7FFFFFFF  }
tec
execute0_lowered:
.L_overlay_start_1:
0x0: {  	(tag) =	ssettag $0x1  }
0x1: {  	s1 =	rddreg [dreg:$0x0]  }
0x2: {  	s2 =	srdreg.scid;
	s8 =	rddreg [dreg:$0x1]  }
0x3: {  	s0 =	stileid.u32;
	s3 =	rddreg [dreg:$0x2];
	s4 =	simm.s32 $0x0  }
0x4: {  	s17 =	simm.s32 $0x50;
	s18 =	simm.s32 $0x3F80;
	s19 =	simm.s32 $0x3F00  }
0x5: {  	s20 =	simm.s32 $0x6780;
	s21 =	simm.s32 $0x1;
	s11 =	smul.u32 $0x13C00, s0  }
0x6: {  	s22 =	simm.s32 $0x2;
	s7 =	sand.u32 $0x1, s2;
	s24 =	smul.u32 $0x4F000, s0  }
0x7: {  	s23 =	sshll.u32 s0, $0x1;
	[smem:$0x7FF] =	sst s4;
	s14 =	smul.u32 $0x7D00, s0  }
0x8: {  	s6 =	sadd.s32 $0x21C00, s8;
	s29 =	sshll.u32 s0, $0x6;
	s9 =	smul.u32 $0x13C000, s7  }
0x9: {  	s2 =	sor.u32 s7, s23;
	s13 =	ssub.s32 $0x2, s7;
	s26 =	smul.u32 $0x3E80, s7  }
0xa: {  	s7 =	sor.u32 $0x1C03, s29;
	s23 =	simm.s32 $0x0;
	s5 =	smul.u32 $0x3E80, s2  }
0xb: {  	s2 =	rddreg [dreg:$0x3];
	_ =	strace $0x8000004D;
	s25 =	sshrl.u32 s13, $0x1  }
0xc: {  	s28 =	sshrl.u32 s24, $0x2;
	s9 =	sadd.s32 s11, s9;
	s13 =	ssub.s32 s13, s25  }
0xd: {  	s16 =	sadd.s32 s28, s3;
	s14 =	sadd.s32 s26, s14;
	s10 =	sshrl.u32 s5, $0x3  }
0xe: {  	s5 =	sadd.s32 $0x2400, s8;
	s9 =	sshrl.u32 s9, $0x3;
	s30 =	sadd.s32 $0x80, s14  }
0xf: {  	s11 =	smax.u32 s13, $0x1;
	s12 =	sadd.s32 s10, s8;
	s15 =	sadd.s32 s9, s8  }
0x10: {  	s9 =	sadd.s32 s5, s10;
	s31 =	sshrl.u32 s30, $0x3;
	s8 =	sadd.s32 $0x12200, s12  }
0x11: {  	s10 =	sadd.s32 $0x24400, s15;
	s12 =	sadd.s32 $0x100, s14;
	s13 =	sadd.s32 s31, s5  }
0x12: {  	s14 =	sshrl.u32 s16, $0x3;
	s15 =	simm.s32 $0x3;
	s16 =	simm.s32 $0x3E80  }
.LBB2_1:
0x13: {  	[spmem:s14], [sflag:s7] =	dma.local [hbm:s6], $0x2780  }
0x14: {  	_ =	swait.ge [sflag:s15], $0x2780  }
0x15: {  	[sflag:s15] =	ssyncset.done $0x0  }
0x16: {  	[sflag:s15] =	ssyncadd.s32 $0xFFFFD880  }
0x17: {  	[tilespmem:s4], [sflag:$0x3] =	stream.linear.gather [hbm4b:s8+s4], $0x3E80, $0x38;
	[tilespmem:$0x1CB80] =	vst v63  }
0x18: {  	_ =	swait.ge [sflag:s15], $0x3E80  }
0x19: {  	[sflag:s15] =	ssyncset.done $0x0  }
0x1a: {  	[sflag:s15] =	ssyncadd.s32 $0xFFFFC180  }
0x1b: {  	[bflag:$0x0] =	sbarrier.arrive $0xFFFF  }
0x1c: {  	[tilespmem:s16], [sflag:$0x1] =	stream.linear.gather [hbm4b:s9+s4], $0x80, $0x38;
	[tilespmem:$0x1CB80] =	vst v63  }
0x1d: {  	_ = 	snop  }
0x1e: {  	[tilespmem:s18], [sflag:$0x1] =	stream.indirect.gather [hbm4b:s1+s17], $0x80, s4, s17, $0xb8;
	[tilespmem:$0x1CB80] =	vst v63  }
0x1f: {  	s24 =	sadd.s32 $0x0, s13  }
0x20: {  	[tilespmem:s19], [sflag:$0x2] =	stream.linear.gather [hbm4b:s24+s4], $0x80, $0x38;
	[tilespmem:$0x1CB80] =	vst v63  }
0x21: {  	s29 =	simm.s32 $0x80  }
0x22: {  	[tilespmem:s20], [sflag:$0x2] =	stream.indirect.gather [hbm4b:s1+s17], $0x80, s29, s17, $0xb8;
	[tilespmem:$0x1CB80] =	vst v63  }
0x23: {  	_ =	swait.ge [sflag:s21], $0x80  }
0x24: {  	[sflag:s21] =	ssyncset.done $0x0  }
0x25: {  	[sflag:s21] =	ssyncadd.s32 $0xFFFFFF80  }
0x26: {  	_ =	swait.ge [sflag:s21], $0x2800  }
0x27: {  	[sflag:s21] =	ssyncset.done $0x0  }
0x28: {  	[sflag:s21] =	ssyncadd.s32 $0xFFFFD800  }
0x29: {  	[spmem:s3] =	stream.indirect.scatter.add.f32 [tilespmem:s18], [sflag:$0x3], $0x80, s16, s17, $0xb8;
	[tilespmem:$0x1CB80] =	vst v63  }
0x2a: {  	_ =	swait.ge [sflag:s15], $0x2800  }
0x2b: {  	s30 =	sshrl.u32 s12, $0x3;
	[sflag:s15] =	ssyncset.done $0x0  }
0x2c: {  	s24 =	sadd.s32 s5, s30;
	[sflag:s15] =	ssyncadd.s32 $0xFFFFD800  }
0x2d: {  	[tilespmem:s16], [sflag:$0x1] =	stream.linear.gather [hbm4b:s24+s4], $0x80, $0x38;
	[tilespmem:$0x1CB80] =	vst v63  }
0x2e: {  	s31 =	simm.s32 $0x100  }
0x2f: {  	[tilespmem:s18], [sflag:$0x1] =	stream.indirect.gather [hbm4b:s1+s17], $0x80, s31, s17, $0xb8;
	[tilespmem:$0x1CB80] =	vst v63  }
0x30: {  	_ =	swait.ge [sflag:s22], $0x80  }
0x31: {  	[sflag:s22] =	ssyncset.done $0x0  }
0x32: {  	[sflag:s22] =	ssyncadd.s32 $0xFFFFFF80  }
0x33: {  	_ =	swait.ge [sflag:s22], $0x2800  }
0x34: {  	[sflag:s22] =	ssyncset.done $0x0  }
0x35: {  	[sflag:s22] =	ssyncadd.s32 $0xFFFFD800  }
0x36: {  	[spmem:s3] =	stream.indirect.scatter.add.f32 [tilespmem:s20], [sflag:$0x3], $0x80, s19, s17, $0xb8;
	[tilespmem:$0x1CB80] =	vst v63  }
0x37: {  	s26 =	simm.s32 $0x20;
	s28 =	simm.s32 $0x40;
	_ =	swait.ge [sflag:s15], $0x2800  }
0x38: {  	s25 =	sadd.s32 $0x100, s12;
	s24 =	simm.s32 $0x200;
	[sflag:s15] =	ssyncset.done $0x0  }
.LBB2_2:
0x39: {  	s29 =	sadd.s32 s26, s13  }
0x3a: {  	[sflag:s15] =	ssyncadd.s32 $0xFFFFD800;
	s26 =	smov.u32 s28;
	s30 =	sadd.s32 $0x20, s28  }
0x3b: {  	[tilespmem:s19], [sflag:$0x2] =	stream.linear.gather [hbm4b:s29+s4], $0x80, $0x38;
	[tilespmem:$0x1CB80] =	vst v63  }
0x3c: {  	p0 =	sne.s32 s28, $0x7A0;
	s28 =	sadd.s32 $0xFFFFFF80, s24  }
0x3d: {  	[tilespmem:s20], [sflag:$0x2] =	stream.indirect.gather [hbm4b:s1+s17], $0x80, s28, s17, $0xb8;
	[tilespmem:$0x1CB80] =	vst v63  }
0x3e: {  	_ =	swait.ge [sflag:s21], $0x80  }
0x3f: {  	[sflag:s21] =	ssyncset.done $0x0  }
0x40: {  	[sflag:s21] =	ssyncadd.s32 $0xFFFFFF80  }
0x41: {  	_ =	swait.ge [sflag:s21], $0x2800  }
0x42: {  	[sflag:s21] =	ssyncset.done $0x0  }
0x43: {  	[sflag:s21] =	ssyncadd.s32 $0xFFFFD800  }
0x44: {  	[spmem:s3] =	stream.indirect.scatter.add.f32 [tilespmem:s18], [sflag:$0x3], $0x80, s16, s17, $0xb8;
	[tilespmem:$0x1CB80] =	vst v63  }
0x45: {  	_ =	swait.ge [sflag:s15], $0x2800  }
0x46: {  	s28 =	sshrl.u32 s25, $0x3;
	[sflag:s15] =	ssyncset.done $0x0  }
0x47: {  	s28 =	sadd.s32 s5, s28;
	[sflag:s15] =	ssyncadd.s32 $0xFFFFD800  }
0x48: {  	[tilespmem:s16], [sflag:$0x1] =	stream.linear.gather [hbm4b:s28+s4], $0x80, $0x38;
	[tilespmem:$0x1CB80] =	vst v63  }
0x49: {  	_ = 	snop  }
0x4a: {  	[tilespmem:s18], [sflag:$0x1] =	stream.indirect.gather [hbm4b:s1+s17], $0x80, s24, s17, $0xb8;
	[tilespmem:$0x1CB80] =	vst v63  }
0x4b: {  	_ =	swait.ge [sflag:s22], $0x80  }
0x4c: {  	[sflag:s22] =	ssyncset.done $0x0  }
0x4d: {  	[sflag:s22] =	ssyncadd.s32 $0xFFFFFF80  }
0x4e: {  	_ =	swait.ge [sflag:s22], $0x2800  }
.Ltmp0:
0x4f: {  	[sflag:s22] =	ssyncset.done $0x0;
	(pc) =	sbr.rel @p0 .LBB2_2-.Ltmp0, $4  }
0x50: {  	[sflag:s22] =	ssyncadd.s32 $0xFFFFD800  }
0x51: {  	[spmem:s3] =	stream.indirect.scatter.add.f32 [tilespmem:s20], [sflag:$0x3], $0x80, s19, s17, $0xb8;
	[tilespmem:$0x1CB80] =	vst v63  }
0x52: {  	s25 =	sadd.s32 $0x100, s25;
	_ =	swait.ge [sflag:s15], $0x2800  }
0x53: {  	s28 =	smov.u32 s30;
	s24 =	sadd.s32 $0x100, s24;
	[sflag:s15] =	ssyncset.done $0x0  }
0x54: {  	s26 =	sadd.s32 s26, s13;
	[sflag:s15] =	ssyncadd.s32 $0xFFFFD800  }
0x55: {  	[tilespmem:s19], [sflag:$0x2] =	stream.linear.gather [hbm4b:s26+s4], $0x80, $0x38;
	[tilespmem:$0x1CB80] =	vst v63  }
0x56: {  	s31 =	sadd.s32 $0xFFFFFF80, s24  }
0x57: {  	[tilespmem:s20], [sflag:$0x2] =	stream.indirect.gather [hbm4b:s1+s17], $0x80, s31, s17, $0xb8;
	[tilespmem:$0x1CB80] =	vst v63  }
0x58: {  	_ =	swait.ge [sflag:s21], $0x80  }
0x59: {  	[sflag:s21] =	ssyncset.done $0x0  }
0x5a: {  	[sflag:s21] =	ssyncadd.s32 $0xFFFFFF80  }
0x5b: {  	_ =	swait.ge [sflag:s21], $0x2800  }
0x5c: {  	[sflag:s21] =	ssyncset.done $0x0  }
0x5d: {  	[sflag:s21] =	ssyncadd.s32 $0xFFFFD800  }
0x5e: {  	[spmem:s3] =	stream.indirect.scatter.add.f32 [tilespmem:s18], [sflag:$0x3], $0x80, s16, s17, $0xb8;
	[tilespmem:$0x1CB80] =	vst v63  }
0x5f: {  	_ =	swait.ge [sflag:s15], $0x2800  }
0x60: {  	s25 =	sshrl.u32 s25, $0x3;
	[sflag:s15] =	ssyncset.done $0x0  }
0x61: {  	s25 =	sadd.s32 s5, s25;
	[sflag:s15] =	ssyncadd.s32 $0xFFFFD800  }
0x62: {  	[tilespmem:s16], [sflag:$0x1] =	stream.linear.gather [hbm4b:s25+s4], $0x80, $0x38;
	[tilespmem:$0x1CB80] =	vst v63  }
0x63: {  	_ = 	snop  }
0x64: {  	[tilespmem:s18], [sflag:$0x1] =	stream.indirect.gather [hbm4b:s1+s17], $0x80, s24, s17, $0xb8;
	[tilespmem:$0x1CB80] =	vst v63  }
0x65: {  	_ =	swait.ge [sflag:s22], $0x80  }
0x66: {  	[sflag:s22] =	ssyncset.done $0x0  }
0x67: {  	[sflag:s22] =	ssyncadd.s32 $0xFFFFFF80  }
0x68: {  	_ =	swait.ge [sflag:s22], $0x2800  }
0x69: {  	[sflag:s22] =	ssyncset.done $0x0  }
0x6a: {  	[sflag:s22] =	ssyncadd.s32 $0xFFFFD800  }
0x6b: {  	[spmem:s3] =	stream.indirect.scatter.add.f32 [tilespmem:s20], [sflag:$0x3], $0x80, s19, s17, $0xb8;
	[tilespmem:$0x1CB80] =	vst v63  }
0x6c: {  	_ =	swait.ge [sflag:s15], $0x2800  }
0x6d: {  	[sflag:s15] =	ssyncset.done $0x0  }
0x6e: {  	[sflag:s15] =	ssyncadd.s32 $0xFFFFD800  }
0x6f: {  	_ =	swait.ge [sflag:s21], $0x80  }
0x70: {  	[sflag:s21] =	ssyncset.done $0x0  }
0x71: {  	[sflag:s21] =	ssyncadd.s32 $0xFFFFFF80  }
0x72: {  	_ =	swait.ge [sflag:s21], $0x2800  }
0x73: {  	[sflag:s21] =	ssyncset.done $0x0  }
0x74: {  	[sflag:s21] =	ssyncadd.s32 $0xFFFFD800  }
0x75: {  	[spmem:s3] =	stream.indirect.scatter.add.f32 [tilespmem:s18], [sflag:$0x3], $0x80, s16, s17, $0xb8;
	[tilespmem:$0x1CB80] =	vst v63  }
0x76: {  	_ =	swait.ge [sflag:s15], $0x2800  }
0x77: {  	s23 =	sadd.s32 $0x1, s23;
	[sflag:s15] =	ssyncset.done $0x0  }
0x78: {  	p0 =	sne.s32 s23, s11;
	[sflag:s15] =	ssyncadd.s32 $0xFFFFD800  }
.Ltmp1:
0x79: {  	[bflag:$0x0] =	sbarrier.arrive $0xFFFF;
	(pc) =	sbr.rel @p0 .LBB2_1-.Ltmp1, $4  }
0x7a: {  	[hbm:s10], [sflag:s7] =	dma.local [spmem:s14], $0x2780  }
0x7b: {  	_ =	swait.ge [sflag:s15], $0x2780  }
0x7c: {  	[sflag:s15] =	ssyncset.done $0x0  }
0x7d: {  	[sflag:s15] =	ssyncadd.s32 $0xFFFFD880  }
0x7e: {  	_ =	sfence.sel $0x180000  }
0x7f: {  	[bflag:$0x0] =	sbarrier.arrive $0xFFFF  }
0x80: {  	p0 =	sne.s32 s0, $0x0;
	_ =	strace $0x9000004D  }
0x81: {  	s0 =	sadd.s32 @!p0 $0x100000, s2;
	[bflag:$0x2] =	sbarrier.arrive $0xFFFF  }
0x82: {  	[sflag:s0] =	ssyncadd.tile.s32 @!p0 $0x1;
	_ =	shalt  }
.Lfunc_end2:
_tile_overlayer_lowered:
.L_overlay_start_2:
0x83: {  	(tag) =	ssettag $0x2  }
0x84: {  	s0 =	rddreg [dreg:$0x0];
	s2 =	stileid.u32  }
0x85: {  	s1 =	rddreg [dreg:$0x1];
	p0 =	sne.s32 s2, $0x0  }
0x86: {  	s3 =	rddreg [dreg:$0x2];
	[bflag:$0x3] =	sbarrier.arrive $0xFFFF;
	s2 =	simm.s32 @!p0 $0x1C03  }
0x87: {  	[timem:s3], [sflag:s2] =	dma.local @!p0 [hbm:s0], s1  }
0x88: {  	s0 =	simm.s32 @!p0 $0x3  }
0x89: {  	_ =	swait.ge @!p0 [sflag:s0], s1  }
0x8a: {  	s1 =	ssub.s32 @!p0 $0x0, s1;
	[sflag:s0] =	ssyncset.done @!p0 $0x0  }
0x8b: {  	[sflag:s0] =	ssyncadd.s32 @!p0 s1  }
0x8c: {  	[bflag:$0x3] =	sbarrier.arrive $0xFFFF  }
0x8d: {  	_ =	shalt  }

// kernel: kernel.8.cloned.1.call-start
scs
__scs_entry_jumppad:
0x0: {  	(pc) =	sbr.rel $0x88, $3  }
0x1: {  	(tag) =	ssettag $0x0;
	lr =	simm.s32 $0x1  }
0x2: {  	[smem:$0x3F9B] =	sst lr;
	_ =	strace $0xD0000000  }
0x3: {  	_ = 	snop  }
0x4: {  	_ = 	snop  }
0x5: {  	_ = 	snop  }
0x6: {  	_ = 	snop  }
0x7: {  	_ = 	snop  }
__scs_overlays_trampoline_lowered:
0x8: {  	[smem:$0x3FAA] =	sst s0  }
0x9: {  	[smem:$0x3FAB] =	sst s1  }
0xa: {  	[smem:$0x3FAC] =	sst s2  }
0xb: {  	[smem:$0x3FAD] =	sst s3  }
0xc: {  	[smem:$0x3FAE] =	sst s4  }
0xd: {  	[smem:$0x3FAF] =	sst s5  }
0xe: {  	[smem:$0x3FB0] =	sst s6  }
0xf: {  	[smem:$0x3FB1] =	sst s7  }
0x10: {  	[smem:$0x3FB2] =	sst s8  }
0x11: {  	[smem:$0x3FB3] =	sst s9;
	s0 =	simm.s32 @!p0 $0x0  }
0x12: {  	s1 =	sld [smem:$0x3F99];
	s0 =	simm.s32 @p0 $0x1  }
0x13: {  	[smem:$0x3FB4] =	sst s0;
	s0 =	simm.s32 @!p1 $0x0  }
0x14: {  	s2 =	sld [smem:$0x3F98];
	s0 =	simm.s32 @p1 $0x1  }
0x15: {  	[smem:$0x3FB5] =	sst s0;
	s0 =	simm.s32 @!p2 $0x0  }
0x16: {  	s3 =	sld [smem:$0x3FDB];
	s0 =	simm.s32 @p2 $0x1  }
0x17: {  	s4 =	simm.s32 $0x1BF5;
	[smem:$0x3FB7] =	sst s0  }
0x18: {  	s0 =	sld [smem:$0x3F9A];
	_ =	swait.ge [sflag:s4], $0x0  }
0x19: {  	s7 =	sld [smem:$0x3F9B]  }
0x1a: {  	s8 =	sadd.s32 $0xFFFFE003, lr  }
0x1b: {  	s9 =	sadd.s32 $0xFFFFFEF7, lr;
	s5 =	simm.s32 $0xFFFFFFFF;
	p2 =	slt.u32 s8, $0xFFFFF086  }
0x1c: {  	p1 =	slt.u32 s9, $0xF7A;
	s5 =	simm.s32 @!p2 $0x0  }
0x1d: {  	s5 =	simm.s32 @p1 $0x1;
	p0 =	seq.s32 s7, s2  }
0x1e: {  	s7 =	smul.u32 @!p0 $0xF7A, s2;
	p2 =	seq.s32 @!p0 s5, $0x0  }
0x1f: {  	s9 =	smul.u32 $0xF7A, s1;
	s8 =	simm.s32 @!p0 $0x1BF5;
	p2 =	por !p2, p0  }
0x20: {  	[sflag:s8] =	ssyncset.s32 @!p0 $0xFFFFF086;
	s6 =	sadd.s32 @!p0 s3, s7;
	s7 =	simm.s32 @!p0 $0x108  }
0x21: {  	s3 =	sadd.s32 s3, s9;
	s6 =	sadd.s32 @!p0 $0x88, s6;
	s7 =	simm.s32 @p2 $0x1082  }
0x22: {  	[simem:s7], [sflag:s8] =	dma.local @!p0 [hbm:s6], $0xF7A  }
0x23: {  	s9 =	sor.u32 $0xD0000000, s2;
	s6 =	simm.s32 $0x108;
	_ =	swait.ge @!p0 [sflag:s8], $0x0  }
0x24: {  	s3 =	sadd.s32 $0x88, s3;
	s6 =	simm.s32 @!p1 $0x1082;
	[sflag:s4] =	ssyncset.s32 $0xFFFFF086  }
0x25: {  	[simem:s6], [sflag:s4] =	dma.local [hbm:s3], $0xF7A  }
0x26: {  	[smem:$0x3F9B] =	sst s1;
	(tag) =	ssettag s2;
	_ =	strace s9  }
0x27: {  	s1 =	sld [smem:$0x3FAB]  }
0x28: {  	s2 =	sld [smem:$0x3FAC]  }
0x29: {  	s4 =	sld [smem:$0x3FAE]  }
0x2a: {  	p0 =	seq.s32 s5, $0x0;
	s5 =	sld [smem:$0x3FAF]  }
0x2b: {  	s6 =	sld [smem:$0x3FB0]  }
0x2c: {  	s7 =	sld [smem:$0x3FB1]  }
0x2d: {  	s3 =	simm.s32 $0x108;
	s8 =	sld [smem:$0x3FB2]  }
0x2e: {  	s3 =	simm.s32 @!p0 $0x1082;
	s9 =	sld [smem:$0x3FB3]  }
0x2f: {  	lr =	sadd.s32 s0, s3;
	s0 =	sld [smem:$0x3FAA]  }
0x30: {  	s3 =	sld [smem:$0x3FAD]  }
0x31: {  	[smem:$0x3FB6] =	sst s10  }
0x32: {  	s10 =	sld [smem:$0x3FB4];
	_ =	sdelay $0x3  }
0x33: {  	p0 =	seq.s32 s10, $0x1;
	s10 =	sld [smem:$0x3FB6];
	_ =	sdelay $0x3  }
0x34: {  	[smem:$0x3FB6] =	sst s10  }
0x35: {  	s10 =	sld [smem:$0x3FB5];
	_ =	sdelay $0x3  }
0x36: {  	p1 =	seq.s32 s10, $0x1;
	s10 =	sld [smem:$0x3FB6];
	_ =	sdelay $0x3  }
0x37: {  	[smem:$0x3FB6] =	sst s10  }
0x38: {  	s10 =	sld [smem:$0x3FB7]  }
0x39: {  	_ = 	snop;
	(pc) =	sbr.ind lr, $3  }
0x3a: {  	_ = 	snop  }
0x3b: {  	_ = 	snop  }
0x3c: {  	p2 =	seq.s32 s10, $0x1;
	s10 =	sld [smem:$0x3FB6]  }
0x3d: {  	_ =	shalt  }
0x3e: {  	_ =	shalt  }
0x3f: {  	_ =	shalt  }
0x40: {  	_ =	shalt  }
0x41: {  	_ =	shalt  }
0x42: {  	_ =	shalt  }
0x43: {  	_ =	shalt  }
0x44: {  	_ =	shalt  }
0x45: {  	_ =	shalt  }
0x46: {  	_ =	shalt  }
0x47: {  	_ =	shalt  }
0x48: {  	_ =	shalt  }
0x49: {  	_ =	shalt  }
0x4a: {  	_ =	shalt  }
0x4b: {  	_ =	shalt  }
0x4c: {  	_ =	shalt  }
0x4d: {  	_ =	shalt  }
0x4e: {  	_ =	shalt  }
0x4f: {  	_ =	shalt  }
0x50: {  	_ =	shalt  }
0x51: {  	_ =	shalt  }
0x52: {  	_ =	shalt  }
0x53: {  	_ =	shalt  }
0x54: {  	_ =	shalt  }
0x55: {  	_ =	shalt  }
0x56: {  	_ =	shalt  }
0x57: {  	_ =	shalt  }
0x58: {  	_ =	shalt  }
0x59: {  	_ =	shalt  }
0x5a: {  	_ =	shalt  }
0x5b: {  	_ =	shalt  }
0x5c: {  	_ =	shalt  }
0x5d: {  	_ =	shalt  }
0x5e: {  	_ =	shalt  }
0x5f: {  	_ =	shalt  }
0x60: {  	_ =	shalt  }
0x61: {  	_ =	shalt  }
0x62: {  	_ =	shalt  }
0x63: {  	_ =	shalt  }
0x64: {  	_ =	shalt  }
0x65: {  	_ =	shalt  }
0x66: {  	_ =	shalt  }
0x67: {  	_ =	shalt  }
0x68: {  	_ =	shalt  }
0x69: {  	_ =	shalt  }
0x6a: {  	_ =	shalt  }
0x6b: {  	_ =	shalt  }
0x6c: {  	_ =	shalt  }
0x6d: {  	_ =	shalt  }
0x6e: {  	_ =	shalt  }
0x6f: {  	_ =	shalt  }
0x70: {  	_ =	shalt  }
0x71: {  	_ =	shalt  }
0x72: {  	_ =	shalt  }
0x73: {  	_ =	shalt  }
0x74: {  	_ =	shalt  }
0x75: {  	_ =	shalt  }
0x76: {  	_ =	shalt  }
0x77: {  	_ =	shalt  }
0x78: {  	_ =	shalt  }
0x79: {  	_ =	shalt  }
0x7a: {  	_ =	shalt  }
0x7b: {  	_ =	shalt  }
0x7c: {  	_ =	shalt  }
0x7d: {  	_ =	shalt  }
0x7e: {  	_ =	shalt  }
0x7f: {  	_ =	shalt  }
0x80: {  	_ =	shalt  }
0x81: {  	_ =	shalt  }
0x82: {  	_ =	shalt  }
0x83: {  	_ =	shalt  }
0x84: {  	_ =	shalt  }
0x85: {  	_ =	shalt  }
0x86: {  	_ =	shalt  }
0x87: {  	_ =	shalt  }
.Lfunc_end0:
.L_simem_size_0:
called_computation_lowered:
.L_overlay_start_0:
0x88: {  	s2 =	sld [smem:$0x3FD9]  }
0x89: {  	s3 =	sld [smem:$0x3FFE];
	_ =	sdelay $0x1  }
0x8a: {  	s1 =	srdreg.scid  }
0x8b: {  	s0 =	sand.u32 $0x1, s1  }
0x8c: {  	s17 =	sshll.u32 s0, $0xA;
	s2 =	sadd.s32 s3, s2  }
0x8d: {  	s2 =	sadd.s32 s2, s17  }
0x8e: {  	[smem:$0x3FC2] =	sst s2  }
0x8f: {  	_ = 	snop  }
0x90: {  	s2 =	sld [smem:$0x3FD0];
	(tm) =	ssettm $0x1  }
0x91: {  	s18 =	sld [smem:$0x3FFB];
	_ =	sdelay $0x3  }
0x92: {  	_ =	strace s18  }
0x93: {  	s3 =	sld [smem:$0x3FFC];
	_ =	sdelay $0x3  }
0x94: {  	_ =	strace s3  }
0x95: {  	s3 =	sld [smem:$0x3FFD];
	_ =	sdelay $0x3  }
0x96: {  	_ =	strace s3  }
0x97: {  	_ =	strace $0x8FFFFFFF  }
0x98: {  	s19 =	sld [smem:$0x3FDB];
	_ =	sdelay $0x1  }
0x99: {  	s4 =	simm.s32 $_scs_section_size  }
0x9a: {  	s5 =	simm.s32 $_size__tile_overlayer_lowered;
	s6 =	simm.s32 $_tile_overlayer_lowered  }
0x9b: {  	s22 =	simm.s32 $0x1BFF;
	s21 =	sshll.u32 s6, $0x1;
	s3 =	sadd.s32 s4, s19  }
0x9c: {  	s7 =	simm.s32 $0x0;
	s20 =	sshll.u32 s5, $0x1;
	s5 =	sadd.s32 s21, s3  }
0x9d: {  	[timem:s7], [sflag:s22] =	dma.local [hbm:s5], s20  }
0x9e: {  	_ =	swait.ge [sflag:s22], s20  }
0x9f: {  	s4 =	ssub.s32 $0x0, s20;
	[sflag:s22] =	ssyncset.done $0x0  }
0xa0: {  	[sflag:s22] =	ssyncadd.s32 s4;
	_ =	sdelay $0x1  }
0xa1: {  	s23 =	simm.s32 $0x1B8B  }
0xa2: {  	_ =	swait.ge [sflag:s23], $0x1  }
0xa3: {  	[sflag:s23] =	ssyncset.done $0x0  }
0xa4: {  	s25 =	simm.s32 $0x1B8E;
	s24 =	sld [smem:$0x3FFE];
	[sflag:s23] =	ssyncadd.s32 $0xFFFFFFFF  }
0xa5: {  	s26 =	simm.s32 $execute0_lowered;
	[smem:$0x3FD2] =	sst s25  }
0xa6: {  	s5 =	sshll.u32 s26, $0x1;
	_ =	strace $0x80000046;
	[dreg:$0x1] =	wrdreg $0xFFFFFFFF  }
0xa7: {  	s28 =	simm.s32 $_size_execute0_lowered;
	s3 =	sadd.s32 s3, s5;
	[dreg:$0x0] =	wrdreg $0x0  }
0xa8: {  	s5 =	sshll.u32 s28, $0x1;
	[dreg:$0x2] =	wrdreg s3  }
0xa9: {  	[dreg:$0x3] =	wrdreg s5  }
0xaa: {  	[dreg:$0x4] =	wrdreg $0xC0  }
0xab: {  	_ =	task [dreg:s7], $0x5FFFF  }
0xac: {  	[dreg:$0x1] =	wrdreg $0xFFFFFFFF  }
0xad: {  	[dreg:$0x0] =	wrdreg $0x60  }
0xae: {  	[dreg:$0x2] =	wrdreg s24  }
0xaf: {  	[dreg:$0x3] =	wrdreg s2  }
0xb0: {  	[dreg:$0x4] =	wrdreg $0x3F000  }
0xb1: {  	[dreg:$0x5] =	wrdreg $0x9  }
0xb2: {  	_ =	task.clear_ibuf [dreg:s7], $0x6FFFF;
	_ =	strace $0x90000046  }
0xb3: {  	s29 =	simm.s32 $0x9;
	_ =	strace $0x80000048  }
0xb4: {  	_ =	swait.ge [sflag:s29], $0x1  }
0xb5: {  	[sflag:s29] =	ssyncadd.s32 $0xFFFFFFFF  }
0xb6: {  	_ =	strace $0x90000048  }
0xb7: {  	_ =	sfence  }
0xb8: {  	s30 =	sld [smem:$0x0];
	_ =	sdelay $0x2  }
0xb9: {  	s31 =	sshll.u32 s1, $0xD;
	s1 =	sshrl.u32 s1, $0x2  }
0xba: {  	s3 =	sand.u32 $0x4000, s31;
	s1 =	sadd.s32 s1, s30  }
0xbb: {  	s0 =	sor.u32 s3, s0;
	s1 =	sshll.u32 s1, $0x11  }
0xbc: {  	s0 =	sor.u32 s1, s0  }
0xbd: {  	s0 =	sadd.s32 $0x8F2B, s0  }
0xbe: {  	[sflag:s0] =	ssyncadd.remote.s32 $0x1  }
0xbf: {  	_ =	sfence.sel $0xFFFF  }
0xc0: {  	[dreg:$0x0] =	wrdreg $0xFFFFFFFF;
	(pc) =	sbr.abs _section_cstart, $3  }
0xc1: {  	[dreg:$0x1] =	wrdreg $0xFFFFFFFF  }
0xc2: {  	_ =	task.clear_ibuf [dreg:s7], $0x2FFFF;
	_ =	strace $0x9FFFFFFF  }
0xc3: {  	(tm) =	ssettm $0x7FFFFFFF  }
tec
execute0_lowered:
.L_overlay_start_1:
0x0: {  	(tag) =	ssettag $0x1  }
0x1: {  	s5 =	rddreg [dreg:$0x0]  }
0x2: {  	s8 =	rddreg [dreg:$0x1]  }
0x3: {  	s1 =	srdreg.scid;
	s0 =	stileid.u32  }
0x4: {  	s2 =	rddreg [dreg:$0x2];
	s3 =	simm.s32 $0x0;
	s13 =	simm.s32 $0x50  }
0x5: {  	s14 =	simm.s32 $0x80;
	s15 =	simm.s32 $0x100;
	s16 =	simm.s32 $0x180  }
0x6: {  	s17 =	simm.s32 $0x200;
	s18 =	simm.s32 $0x280;
	s19 =	simm.s32 $0x300  }
0x7: {  	s20 =	simm.s32 $0x380;
	s21 =	simm.s32 $0x1;
	s22 =	simm.s32 $0x20  }
0x8: {  	s23 =	simm.s32 $0x10;
	s24 =	simm.s32 $0x0;
	s6 =	sand.u32 $0x1, s1  }
0x9: {  	s4 =	sshll.u32 s0, $0x1;
	s1 =	rddreg [dreg:$0x3];
	s10 =	smul.u32 $0xA00, s0  }
0xa: {  	[smem:$0x7FF] =	sst s3;
	s12 =	smul.u32 $0x500, s0;
	s30 =	sshll.u32 s0, $0x6  }
0xb: {  	s4 =	sor.u32 s6, s4;
	_ =	strace $0x80000047;
	s9 =	ssub.s32 $0x2, s6  }
0xc: {  	s6 =	sshll.u32 s6, $0x7;
	s4 =	smul.u32 $0x7D0, s4;
	s11 =	sshrl.u32 s9, $0x1  }
0xd: {  	s10 =	sshrl.u32 s10, $0x2;
	s12 =	sor.u32 s6, s12;
	s6 =	sor.u32 $0x1C02, s30  }
0xe: {  	s9 =	ssub.s32 s9, s11;
	s10 =	sadd.s32 s10, s2;
	s31 =	sshrl.u32 s12, $0x3  }
0xf: {  	s11 =	simm.s32 $0x2;
	s12 =	simm.s32 $0x3E80;
	s7 =	sadd.s32 s4, s5  }
0x10: {  	s4 =	sadd.s32 $0x11E00, s5;
	s5 =	sadd.s32 $0x12000, s5;
	s8 =	sadd.s32 s8, s31  }
0x11: {  	s9 =	smax.u32 s9, $0x1;
	s10 =	sshrl.u32 s10, $0x3;
	s7 =	sadd.s32 $0x2400, s7  }
.LBB2_1:
0x12: {  	[spmem:s10], [sflag:s6] =	dma.local [hbm:s5], $0x50  }
0x13: {  	_ =	swait.ge [sflag:s11], $0x50  }
0x14: {  	[sflag:s11] =	ssyncset.done $0x0  }
0x15: {  	[sflag:s11] =	ssyncadd.s32 $0xFFFFFFB0  }
0x16: {  	[tilespmem:s12], [sflag:$0x2] =	stream.linear.gather [hbm4b:s4+s3], $0x80, $0x38;
	[tilespmem:$0x4180] =	vst v63  }
0x17: {  	_ =	swait.ge [sflag:s11], $0x80  }
0x18: {  	[sflag:s11] =	ssyncset.done $0x0  }
0x19: {  	[sflag:s11] =	ssyncadd.s32 $0xFFFFFF80  }
0x1a: {  	[tilespmem:s3], [sflag:$0x2] =	stream.linear.gather [hbm4b:s7+s3], $0x3E80, $0x38;
	[tilespmem:$0x4180] =	vst v63  }
0x1b: {  	_ =	swait.ge [sflag:s11], $0x3E80  }
0x1c: {  	[sflag:s11] =	ssyncset.done $0x0  }
0x1d: {  	[sflag:s11] =	ssyncadd.s32 $0xFFFFC180  }
0x1e: {  	[bflag:$0x0] =	sbarrier.arrive $0xFFFF  }
0x1f: {  	[spmem:s2] =	stream.indirect.scatter.add.f32 [tilespmem:s12], [sflag:$0x1], $0x1, s3, s13, $0xb8;
	[tilespmem:$0x4180] =	vst v63  }
0x20: {  	_ = 	snop  }
0x21: {  	[spmem:s2] =	stream.indirect.scatter.add.f32 [tilespmem:s12], [sflag:$0x1], $0x1, s14, s13, $0xb8;
	[tilespmem:$0x4180] =	vst v63  }
0x22: {  	_ = 	snop  }
0x23: {  	[spmem:s2] =	stream.indirect.scatter.add.f32 [tilespmem:s12], [sflag:$0x1], $0x1, s15, s13, $0xb8;
	[tilespmem:$0x4180] =	vst v63  }
0x24: {  	_ = 	snop  }
0x25: {  	[spmem:s2] =	stream.indirect.scatter.add.f32 [tilespmem:s12], [sflag:$0x1], $0x1, s16, s13, $0xb8;
	[tilespmem:$0x4180] =	vst v63  }
0x26: {  	_ = 	snop  }
0x27: {  	[spmem:s2] =	stream.indirect.scatter.add.f32 [tilespmem:s12], [sflag:$0x1], $0x1, s17, s13, $0xb8;
	[tilespmem:$0x4180] =	vst v63  }
0x28: {  	_ = 	snop  }
0x29: {  	[spmem:s2] =	stream.indirect.scatter.add.f32 [tilespmem:s12], [sflag:$0x1], $0x1, s18, s13, $0xb8;
	[tilespmem:$0x4180] =	vst v63  }
0x2a: {  	_ = 	snop  }
0x2b: {  	[spmem:s2] =	stream.indirect.scatter.add.f32 [tilespmem:s12], [sflag:$0x1], $0x1, s19, s13, $0xb8;
	[tilespmem:$0x4180] =	vst v63  }
0x2c: {  	_ = 	snop  }
0x2d: {  	[spmem:s2] =	stream.indirect.scatter.add.f32 [tilespmem:s12], [sflag:$0x1], $0x1, s20, s13, $0xb8;
	[tilespmem:$0x4180] =	vst v63  }
0x2e: {  	_ =	swait.ge [sflag:s21], $0x50  }
0x2f: {  	[sflag:s21] =	ssyncset.done $0x0  }
0x30: {  	s25 =	simm.s32 $0x1200;
	s26 =	simm.s32 $0x400;
	[sflag:s21] =	ssyncadd.s32 $0xFFFFFFB0  }
.LBB2_2:
0x31: {  	[spmem:s2] =	stream.indirect.scatter.add.f32 [tilespmem:s12], [sflag:$0x1], $0x1, s26, s13, $0xb8;
	[tilespmem:$0x4180] =	vst v63  }
0x32: {  	s26 =	smov.u32 s25;
	p0 =	sne.s32 s25, $0xF800  }
.Ltmp0:
0x33: {  	s25 =	sadd.s32 $0x200, s25;
	(pc) =	sbr.rel @p0 .LBB2_2-.Ltmp0, $4  }
0x34: {  	_ = 	snop  }
0x35: {  	_ =	swait.ge [sflag:s21], $0x50  }
0x36: {  	[sflag:s21] =	ssyncset.done $0x0  }
0x37: {  	s26 =	sshra.s32 s26, $0x2;
	[sflag:s21] =	ssyncadd.s32 $0xFFFFFFB0  }
0x38: {  	[spmem:s2] =	stream.indirect.scatter.add.f32 [tilespmem:s12], [sflag:$0x1], $0x1, s26, s13, $0xb8;
	[tilespmem:$0x4180] =	vst v63  }
0x39: {  	_ =	swait.ge [sflag:s21], $0x50  }
0x3a: {  	[sflag:s21] =	ssyncset.done $0x0  }
0x3b: {  	[sflag:s21] =	ssyncadd.s32 $0xFFFFFFB0  }
0x3c: {  	_ =	swait.ge [sflag:s21], $0x50  }
0x3d: {  	[sflag:s21] =	ssyncset.done $0x0  }
0x3e: {  	[sflag:s21] =	ssyncadd.s32 $0xFFFFFFB0  }
0x3f: {  	_ =	swait.ge [sflag:s21], $0x50  }
0x40: {  	[sflag:s21] =	ssyncset.done $0x0  }
0x41: {  	[sflag:s21] =	ssyncadd.s32 $0xFFFFFFB0  }
0x42: {  	_ =	swait.ge [sflag:s21], $0x50  }
0x43: {  	[sflag:s21] =	ssyncset.done $0x0  }
0x44: {  	[sflag:s21] =	ssyncadd.s32 $0xFFFFFFB0  }
0x45: {  	_ =	swait.ge [sflag:s21], $0x50  }
0x46: {  	[sflag:s21] =	ssyncset.done $0x0  }
0x47: {  	[sflag:s21] =	ssyncadd.s32 $0xFFFFFFB0  }
0x48: {  	_ =	swait.ge [sflag:s21], $0x50  }
0x49: {  	[sflag:s21] =	ssyncset.done $0x0  }
0x4a: {  	[sflag:s21] =	ssyncadd.s32 $0xFFFFFFB0  }
0x4b: {  	_ =	swait.ge [sflag:s21], $0x50  }
0x4c: {  	[sflag:s21] =	ssyncset.done $0x0  }
0x4d: {  	[sflag:s21] =	ssyncadd.s32 $0xFFFFFFB0  }
0x4e: {  	_ =	swait.ge [sflag:s21], $0x50  }
0x4f: {  	s24 =	sadd.s32 $0x1, s24;
	[sflag:s21] =	ssyncset.done $0x0  }
0x50: {  	p0 =	sne.s32 s24, s9;
	[sflag:s21] =	ssyncadd.s32 $0xFFFFFFB0  }
.Ltmp1:
0x51: {  	[bflag:$0x0] =	sbarrier.arrive $0xFFFF;
	(pc) =	sbr.rel @p0 .LBB2_1-.Ltmp1, $4  }
0x52: {  	[hbm:s8@s22], [sflag:s6] =	dma.strided [spmem:s10@s23], $0x50, s21, $0x10   }
0x53: {  	_ =	swait.ge [sflag:s11], $0x50  }
0x54: {  	[sflag:s11] =	ssyncset.done $0x0  }
0x55: {  	[sflag:s11] =	ssyncadd.s32 $0xFFFFFFB0  }
0x56: {  	_ =	sfence.sel $0x180000  }
0x57: {  	[bflag:$0x0] =	sbarrier.arrive $0xFFFF  }
0x58: {  	p0 =	sne.s32 s0, $0x0;
	_ =	strace $0x90000047  }
0x59: {  	s0 =	sadd.s32 @!p0 $0x100000, s1;
	[bflag:$0x2] =	sbarrier.arrive $0xFFFF  }
0x5a: {  	[sflag:s0] =	ssyncadd.tile.s32 @!p0 $0x1;
	_ =	shalt  }
.Lfunc_end2:
_tile_overlayer_lowered:
.L_overlay_start_2:
0x5b: {  	(tag) =	ssettag $0x2  }
0x5c: {  	s0 =	rddreg [dreg:$0x0];
	s2 =	stileid.u32  }
0x5d: {  	s1 =	rddreg [dreg:$0x1];
	p0 =	sne.s32 s2, $0x0  }
0x5e: {  	s3 =	rddreg [dreg:$0x2];
	[bflag:$0x3] =	sbarrier.arrive $0xFFFF;
	s2 =	simm.s32 @!p0 $0x1C02  }
0x5f: {  	[timem:s3], [sflag:s2] =	dma.local @!p0 [hbm:s0], s1  }
0x60: {  	s0 =	simm.s32 @!p0 $0x2  }
0x61: {  	_ =	swait.ge @!p0 [sflag:s0], s1  }
0x62: {  	s1 =	ssub.s32 @!p0 $0x0, s1;
	[sflag:s0] =	ssyncset.done @!p0 $0x0  }
0x63: {  	[sflag:s0] =	ssyncadd.s32 @!p0 s1  }
0x64: {  	[bflag:$0x3] =	sbarrier.arrive $0xFFFF  }
0x65: {  	_ =	shalt  }

</sc_bundles>
